<compile_context>
chip_gen: v7x
topology: tpu7x:2x2x1
jax: 0.10.2.dev20260603
libtpu: 0.0.44.dev20260713+nightly
codegen_flags: <defaults>
</compile_context>

<pallas_src>
import functools

import jax
import jax.numpy as jnp
from jax import lax
from jax.experimental import pallas as pl
from jax.experimental.pallas import tpu as pltpu
from jax.experimental.pallas import tpu_sc as plsc

MAX_DIST = 20
NUM_HEADS = 16

_NC = 2
_NS = 16
_NW = _NC * _NS
_LANES = 16

_CHUNK = 2048
_NBUF = 2


def _sc_lookup(dist_hbm, table_hbm, out_hbm, dist_v, rows_v, tab_v,
               isem0, isem1, osem0, osem1):
    b = dist_hbm.shape[0]
    b_per_w = b // _NW
    n_chunks = b_per_w // _CHUNK
    wid = lax.axis_index("s") * _NC + lax.axis_index("c")
    base = wid * b_per_w
    isems = (isem0, isem1)
    osems = (osem0, osem1)

    pltpu.sync_copy(table_hbm, tab_v)

    iota16 = lax.iota(jnp.int32, _LANES)
    dnums = lax.GatherDimensionNumbers(
        offset_dims=(), collapsed_slice_dims=(0,), start_index_map=(0,))

    def lane_broadcast(v, k):
        return lax.gather(
            v, jnp.full((_LANES, 1), k, jnp.int32), dnums, (1,),
            mode=lax.GatherScatterMode.PROMISE_IN_BOUNDS)

    def in_copy(t, bi):
        return pltpu.make_async_copy(
            dist_hbm.at[pl.ds(base + t * _CHUNK, _CHUNK)], dist_v.at[bi],
            isems[bi])

    def out_copy(t, bi):
        return pltpu.make_async_copy(
            rows_v.at[bi],
            out_hbm.at[pl.ds((base + t * _CHUNK) * NUM_HEADS,
                             _CHUNK * NUM_HEADS)],
            osems[bi])

    in_copy(0, 0).start()
    in_copy(1, 1).start()

    @pl.loop(0, n_chunks, step=_NBUF)
    def _chunk_pair(t0):
        for bi in range(_NBUF):
            t = t0 + bi
            in_copy(t, bi).wait()

            @pl.when(t >= _NBUF)
            def _drain_prev_writeback():
                out_copy(t - _NBUF, bi).wait()

            @plsc.parallel_loop(0, _CHUNK // _LANES, unroll=4)
            def _group(g):
                v = dist_v[bi, pl.ds(g * _LANES, _LANES)]
                v = jnp.clip(v + 1, 0, MAX_DIST + 1)
                rbase = g * (_LANES * NUM_HEADS)
                for k in range(_LANES):
                    bvec = lane_broadcast(v, k)
                    row = plsc.load_gather(tab_v, [bvec, iota16])
                    rows_v[bi, pl.ds(rbase + k * NUM_HEADS, NUM_HEADS)] = row

            @pl.when(t + _NBUF < n_chunks)
            def _prefetch_next():
                in_copy(t + _NBUF, bi).start()

            out_copy(t, bi).start()

    out_copy(n_chunks - 2, 0).wait()
    out_copy(n_chunks - 1, 1).wait()


def kernel(dist, table):
    b = dist.size
    flat = dist.reshape((b,)).astype(jnp.int32)
    run = functools.partial(
        pl.kernel,
        out_type=jax.ShapeDtypeStruct((b * NUM_HEADS,), jnp.float32),
        mesh=plsc.VectorSubcoreMesh(
            core_axis_name="c", subcore_axis_name="s",
            num_cores=_NC, num_subcores=_NS),
        scratch_types=[
            pltpu.VMEM((_NBUF, _CHUNK), jnp.int32),
            pltpu.VMEM((_NBUF, _CHUNK * NUM_HEADS), jnp.float32),
            pltpu.VMEM((MAX_DIST + 2, NUM_HEADS), jnp.float32),
            pltpu.SemaphoreType.DMA,
            pltpu.SemaphoreType.DMA,
            pltpu.SemaphoreType.DMA,
            pltpu.SemaphoreType.DMA,
        ],
        compiler_params=pltpu.CompilerParams(
            use_tc_tiling_on_sc=False, needs_layout_passes=False),
    )(_sc_lookup)
    out = run(flat, table)
    return out.reshape(dist.shape + (NUM_HEADS,))

# --- scband reference (transcript-rebuilt; emitter-appended) ---
"""Pipeline reference for scband-spatial-encoder-25726854103671 (READ-ONLY COPY).

The authoritative reference and input builder live on the scoring server;
editing this copy changes nothing except your own understanding.
"""

import jax, jax.numpy as jnp
import numpy as np

MAX_DIST = 20
NUM_HEADS = 16


def setup_inputs(seed: int = 0) -> dict:
    key = jax.random.key(seed)
    k1, k2 = jax.random.split(key)
    # dist values in [0, 25); values above MAX_DIST exercise the clamp path.
    dist = jax.random.randint(k1, (4, 1024, 1024), 0, 25)
    # Embedding table of shape [max_dist + 2, num_heads]; padding_idx=0 row is zeros
    # (matches torch nn.Embedding(padding_idx=0) initialization semantics).
    table = jax.random.normal(k2, (MAX_DIST + 2, NUM_HEADS), dtype=jnp.float32)
    table = table.at[0].set(0.0)
    return {"dist": dist, "table": table}


def reference(dist, table):
    # spatial_encoding = embedding_table(clamp(dist, -1, max_dist) + 1)
    idx = jnp.clip(dist, -1, MAX_DIST) + 1
    return jnp.take(table, idx, axis=0)

if __name__ == "__main__":
    import jax
    _d = setup_inputs()
    print(jax.jit(kernel)(*tuple(_d.values())))

</pallas_src>

<mosaic_0001>
#map = affine_map<(d0, d1) -> (0)>
#map1 = affine_map<(d0, d1) -> (0, 0)>
module attributes {stable_mosaic.version = 14 : i64} {
  func.func @_sc_lookup(%arg0: i32, %arg1: i32, %arg2: memref<4194304xi32, #tpu.memory_space<hbm>>, %arg3: memref<22x16xf32, #tpu.memory_space<hbm>>, %arg4: memref<67108864xf32, #tpu.memory_space<hbm>>, %arg5: memref<2x2048xi32, #tpu.memory_space<vmem>>, %arg6: memref<2x32768xf32, #tpu.memory_space<vmem>>, %arg7: memref<22x16xf32, #tpu.memory_space<vmem>>, %arg8: memref<!tpu.dma_semaphore, #tpu.memory_space<semaphore_mem>>, %arg9: memref<!tpu.dma_semaphore, #tpu.memory_space<semaphore_mem>>, %arg10: memref<!tpu.dma_semaphore, #tpu.memory_space<semaphore_mem>>, %arg11: memref<!tpu.dma_semaphore, #tpu.memory_space<semaphore_mem>>) attributes {dimension_semantics = [#tpu.dimension_semantics<core_parallel>, #tpu.dimension_semantics<subcore_parallel>], iteration_bounds = array<i64: 2, 16>, scalar_prefetch = 0 : i64, scratch_operands = 7 : i64, tpu.core_type = #tpu.core_type<sc_vector_subcore>, window_params = [{transform_indices = #map}, {transform_indices = #map1}, {transform_indices = #map}]} {
    %mul3A = arith.constant 2 : i32
    %mul3A_0 = arith.muli %arg1, %mul3A : i32
    %add3A = arith.addi %mul3A_0, %arg0 : i32
    %mul3A_1 = arith.constant 131072 : i32
    %mul3A_2 = arith.muli %add3A, %mul3A_1 : i32
    "tpu.region"() ({
      %run_scoped3A = tpu.sem_alloc : memref<!tpu.dma_semaphore, #tpu.memory_space<semaphore_mem>>
      tpu.enqueue_dma source(%arg3 : memref<22x16xf32, #tpu.memory_space<hbm>>) target(%arg7 : memref<22x16xf32, #tpu.memory_space<vmem>>) target_semaphore(%run_scoped3A : memref<!tpu.dma_semaphore, #tpu.memory_space<semaphore_mem>>)
      tpu.wait_dma2 semaphore(%run_scoped3A : memref<!tpu.dma_semaphore, #tpu.memory_space<semaphore_mem>>) src(%arg3 : memref<22x16xf32, #tpu.memory_space<hbm>>) dst(%arg7 : memref<22x16xf32, #tpu.memory_space<vmem>>)
      tpu.yield
    }) : () -> ()
    %iota3A = tpu.iota {dimensions = array<i32: 0>} : vector<16xi32>
    %add3A_3 = arith.constant 0 : i32
    %add3A_4 = arith.addi %mul3A_2, %add3A_3 : i32
    %dma_start3A = arith.constant 0 : i32
    %dma_start3A_5 = arith.constant 0 : i32
    %dma_start3A_6 = tpu.memref_slice %arg5[%dma_start3A, %dma_start3A_5] : memref<2x2048xi32, #tpu.memory_space<vmem>> -> memref<1x2048xi32, #tpu.memory_space<vmem>>
    %dma_start3A_7 = tpu.memref_squeeze %dma_start3A_6 : memref<1x2048xi32, #tpu.memory_space<vmem>> -> memref<2048xi32, #tpu.memory_space<vmem>>
    %dma_start3A_8 = tpu.memref_slice %arg2[%add3A_4] : memref<4194304xi32, #tpu.memory_space<hbm>> -> memref<2048xi32, #tpu.memory_space<hbm>>
    %dma_start3A_9 = arith.constant 0 : i32
    %dma_start3A_10 = tpu.memref_slice %arg5[%dma_start3A, %dma_start3A_9] : memref<2x2048xi32, #tpu.memory_space<vmem>> -> memref<1x2048xi32, #tpu.memory_space<vmem>>
    %dma_start3A_11 = tpu.memref_squeeze %dma_start3A_10 : memref<1x2048xi32, #tpu.memory_space<vmem>> -> memref<2048xi32, #tpu.memory_space<vmem>>
    %dma_start3A_12 = tpu.memref_slice %arg2[%add3A_4] : memref<4194304xi32, #tpu.memory_space<hbm>> -> memref<2048xi32, #tpu.memory_space<hbm>>
    tpu.enqueue_dma source(%dma_start3A_12 : memref<2048xi32, #tpu.memory_space<hbm>>) target(%dma_start3A_11 : memref<2048xi32, #tpu.memory_space<vmem>>) target_semaphore(%arg8 : memref<!tpu.dma_semaphore, #tpu.memory_space<semaphore_mem>>)
    %add3A_13 = arith.constant 2048 : i32
    %add3A_14 = arith.addi %mul3A_2, %add3A_13 : i32
    %dma_start3A_15 = arith.constant 1 : i32
    %dma_start3A_16 = arith.constant 0 : i32
    %dma_start3A_17 = tpu.memref_slice %arg5[%dma_start3A_15, %dma_start3A_16] : memref<2x2048xi32, #tpu.memory_space<vmem>> -> memref<1x2048xi32, #tpu.memory_space<vmem>>
    %dma_start3A_18 = tpu.memref_squeeze %dma_start3A_17 : memref<1x2048xi32, #tpu.memory_space<vmem>> -> memref<2048xi32, #tpu.memory_space<vmem>>
    %dma_start3A_19 = tpu.memref_slice %arg2[%add3A_14] : memref<4194304xi32, #tpu.memory_space<hbm>> -> memref<2048xi32, #tpu.memory_space<hbm>>
    %dma_start3A_20 = arith.constant 0 : i32
    %dma_start3A_21 = tpu.memref_slice %arg5[%dma_start3A_15, %dma_start3A_20] : memref<2x2048xi32, #tpu.memory_space<vmem>> -> memref<1x2048xi32, #tpu.memory_space<vmem>>
    %dma_start3A_22 = tpu.memref_squeeze %dma_start3A_21 : memref<1x2048xi32, #tpu.memory_space<vmem>> -> memref<2048xi32, #tpu.memory_space<vmem>>
    %dma_start3A_23 = tpu.memref_slice %arg2[%add3A_14] : memref<4194304xi32, #tpu.memory_space<hbm>> -> memref<2048xi32, #tpu.memory_space<hbm>>
    tpu.enqueue_dma source(%dma_start3A_23 : memref<2048xi32, #tpu.memory_space<hbm>>) target(%dma_start3A_22 : memref<2048xi32, #tpu.memory_space<vmem>>) target_semaphore(%arg9 : memref<!tpu.dma_semaphore, #tpu.memory_space<semaphore_mem>>)
    %scan3A = arith.constant 0 : i32
    %scan3A_24 = arith.constant 32 : i32
    %scan3A_25 = arith.addi %scan3A, %scan3A_24 : i32
    %scan3A_26 = arith.constant 1 : i32
    scf.for %scan3A_53 = %scan3A to %scan3A_25 step %scan3A_26  : i32 {
      %mul3A_54 = arith.constant 2 : i32
      %mul3A_55 = arith.muli %scan3A_53, %mul3A_54 : i32
      %add3A_56 = arith.constant 0 : i32
      %add3A_57 = arith.addi %add3A_56, %mul3A_55 : i32
      %add3A_58 = arith.constant 0 : i32
      %add3A_59 = arith.addi %add3A_57, %add3A_58 : i32
      %mul3A_60 = arith.constant 2048 : i32
      %mul3A_61 = arith.muli %add3A_59, %mul3A_60 : i32
      %add3A_62 = arith.addi %mul3A_2, %mul3A_61 : i32
      %dma_wait3A_63 = arith.constant 0 : i32
      %dma_wait3A_64 = arith.constant 0 : i32
      %dma_wait3A_65 = tpu.memref_slice %arg5[%dma_wait3A_63, %dma_wait3A_64] : memref<2x2048xi32, #tpu.memory_space<vmem>> -> memref<1x2048xi32, #tpu.memory_space<vmem>>
      %dma_wait3A_66 = tpu.memref_squeeze %dma_wait3A_65 : memref<1x2048xi32, #tpu.memory_space<vmem>> -> memref<2048xi32, #tpu.memory_space<vmem>>
      %dma_wait3A_67 = tpu.memref_slice %arg2[%add3A_62] : memref<4194304xi32, #tpu.memory_space<hbm>> -> memref<2048xi32, #tpu.memory_space<hbm>>
      %dma_wait3A_68 = arith.constant 0 : i32
      %dma_wait3A_69 = tpu.memref_slice %arg5[%dma_wait3A_63, %dma_wait3A_68] : memref<2x2048xi32, #tpu.memory_space<vmem>> -> memref<1x2048xi32, #tpu.memory_space<vmem>>
      %dma_wait3A_70 = tpu.memref_squeeze %dma_wait3A_69 : memref<1x2048xi32, #tpu.memory_space<vmem>> -> memref<2048xi32, #tpu.memory_space<vmem>>
      %dma_wait3A_71 = tpu.memref_slice %arg2[%add3A_62] : memref<4194304xi32, #tpu.memory_space<hbm>> -> memref<2048xi32, #tpu.memory_space<hbm>>
      tpu.wait_dma2 semaphore(%arg8 : memref<!tpu.dma_semaphore, #tpu.memory_space<semaphore_mem>>) src(%dma_wait3A_71 : memref<2048xi32, #tpu.memory_space<hbm>>) dst(%dma_wait3A_70 : memref<2048xi32, #tpu.memory_space<vmem>>)
      %ge3A = arith.constant 2 : i32
      %ge3A_72 = arith.cmpi sge, %add3A_59, %ge3A : i32
      %convert_element_type3A = arith.extui %ge3A_72 : i1 to i32
      %cond3A = arith.constant 0 : i32
      %cond3A_73 = arith.cmpi ne, %convert_element_type3A, %cond3A : i32
      scf.if %cond3A_73 {
        %sub3A = arith.constant 2 : i32
        %sub3A_139 = arith.subi %add3A_59, %sub3A : i32
        %mul3A_140 = arith.constant 2048 : i32
        %mul3A_141 = arith.muli %sub3A_139, %mul3A_140 : i32
        %add3A_142 = arith.addi %mul3A_2, %mul3A_141 : i32
        %mul3A_143 = arith.constant 16 : i32
        %mul3A_144 = arith.muli %add3A_142, %mul3A_143 : i32
        %dma_wait3A_145 = arith.constant 0 : i32
        %dma_wait3A_146 = arith.constant 0 : i32
        %dma_wait3A_147 = tpu.memref_slice %arg6[%dma_wait3A_145, %dma_wait3A_146] : memref<2x32768xf32, #tpu.memory_space<vmem>> -> memref<1x32768xf32, #tpu.memory_space<vmem>>
        %dma_wait3A_148 = tpu.memref_squeeze %dma_wait3A_147 : memref<1x32768xf32, #tpu.memory_space<vmem>> -> memref<32768xf32, #tpu.memory_space<vmem>>
        %dma_wait3A_149 = tpu.memref_slice %arg4[%mul3A_144] : memref<67108864xf32, #tpu.memory_space<hbm>> -> memref<32768xf32, #tpu.memory_space<hbm>>
        %dma_wait3A_150 = tpu.memref_slice %arg4[%mul3A_144] : memref<67108864xf32, #tpu.memory_space<hbm>> -> memref<32768xf32, #tpu.memory_space<hbm>>
        %dma_wait3A_151 = arith.constant 0 : i32
        %dma_wait3A_152 = tpu.memref_slice %arg6[%dma_wait3A_145, %dma_wait3A_151] : memref<2x32768xf32, #tpu.memory_space<vmem>> -> memref<1x32768xf32, #tpu.memory_space<vmem>>
        %dma_wait3A_153 = tpu.memref_squeeze %dma_wait3A_152 : memref<1x32768xf32, #tpu.memory_space<vmem>> -> memref<32768xf32, #tpu.memory_space<vmem>>
        tpu.wait_dma2 semaphore(%arg10 : memref<!tpu.dma_semaphore, #tpu.memory_space<semaphore_mem>>) src(%dma_wait3A_153 : memref<32768xf32, #tpu.memory_space<vmem>>) dst(%dma_wait3A_150 : memref<32768xf32, #tpu.memory_space<hbm>>)
      } else {
      }
      %parallel_loop3A = arith.constant 0 : i32
      %parallel_loop3A_74 = arith.constant 128 : i32
      %parallel_loop3A_75 = arith.constant 1 : i32
      scf.for %parallel_loop3A_139 = %parallel_loop3A to %parallel_loop3A_74 step %parallel_loop3A_75  : i32 {
        %parallel_loop3A_140 = arith.constant 16 : i32
        %parallel_loop3A_141 = arith.muli %parallel_loop3A_139, %parallel_loop3A_140 : i32
        %parallel_loop3A_142 = arith.constant 0 : i32
        %parallel_loop3A_143 = arith.index_cast %parallel_loop3A_142 : i32 to index
        %parallel_loop3A_144 = arith.index_cast %parallel_loop3A_141 : i32 to index
        %parallel_loop3A_145 = tpu.vector_load %arg5[%parallel_loop3A_143, %parallel_loop3A_144] {strides = array<i32>} : memref<2x2048xi32, #tpu.memory_space<vmem>>, vector<16xi32>,
        %parallel_loop3A_146 = arith.constant 1 : i32
        %parallel_loop3A_147 = vector.broadcast %parallel_loop3A_146 : i32 to vector<16xi32>
        %parallel_loop3A_148 = arith.addi %parallel_loop3A_145, %parallel_loop3A_147 : vector<16xi32>
        %parallel_loop3A_149 = arith.constant 0 : i32
        %parallel_loop3A_150 = arith.constant 21 : i32
        %parallel_loop3A_151 = vector.broadcast %parallel_loop3A_149 : i32 to vector<16xi32>
        %parallel_loop3A_152 = arith.maxsi %parallel_loop3A_151, %parallel_loop3A_148 : vector<16xi32>
        %parallel_loop3A_153 = vector.broadcast %parallel_loop3A_150 : i32 to vector<16xi32>
        %parallel_loop3A_154 = arith.minsi %parallel_loop3A_153, %parallel_loop3A_152 : vector<16xi32>
        %parallel_loop3A_155 = arith.constant 256 : i32
        %parallel_loop3A_156 = arith.muli %parallel_loop3A_139, %parallel_loop3A_155 : i32
        %parallel_loop3A_157 = arith.constant 0 : i32
        %parallel_loop3A_158 = vector.broadcast %parallel_loop3A_157 : i32 to vector<16x1xi32>
        %parallel_loop3A_159 = vector.shape_cast %parallel_loop3A_158 : vector<16x1xi32> to vector<16xi32>
        %parallel_loop3A_160 = tpu.dynamic_gather %parallel_loop3A_154[%parallel_loop3A_159] in [0] : vector<16xi32>, vector<16xi32> -> vector<16xi32>
        %parallel_loop3A_161 = tpu.vector_load_idx %arg7[%parallel_loop3A_160, %iota3A] : memref<22x16xf32, #tpu.memory_space<vmem>>[vector<16xi32>, vector<16xi32>], vector<16xf32>,
        %parallel_loop3A_162 = arith.constant 0 : i32
        %parallel_loop3A_163 = arith.addi %parallel_loop3A_156, %parallel_loop3A_162 : i32
        %parallel_loop3A_164 = arith.constant 0 : i32
        %parallel_loop3A_165 = arith.index_cast %parallel_loop3A_164 : i32 to index
        %parallel_loop3A_166 = arith.index_cast %parallel_loop3A_163 : i32 to index
        %parallel_loop3A_167 = tpu.vector_load %arg6[%parallel_loop3A_165, %parallel_loop3A_166] {strides = array<i32>} : memref<2x32768xf32, #tpu.memory_space<vmem>>, vector<16xf32>,
        tpu.vector_store %arg6[%parallel_loop3A_165, %parallel_loop3A_166], %parallel_loop3A_161 {strides = array<i32>} : memref<2x32768xf32, #tpu.memory_space<vmem>>, vector<16xf32>,
        %parallel_loop3A_168 = arith.constant 1 : i32
        %parallel_loop3A_169 = vector.broadcast %parallel_loop3A_168 : i32 to vector<16x1xi32>
        %parallel_loop3A_170 = vector.shape_cast %parallel_loop3A_169 : vector<16x1xi32> to vector<16xi32>
        %parallel_loop3A_171 = tpu.dynamic_gather %parallel_loop3A_154[%parallel_loop3A_170] in [0] : vector<16xi32>, vector<16xi32> -> vector<16xi32>
        %parallel_loop3A_172 = tpu.vector_load_idx %arg7[%parallel_loop3A_171, %iota3A] : memref<22x16xf32, #tpu.memory_space<vmem>>[vector<16xi32>, vector<16xi32>], vector<16xf32>,
        %parallel_loop3A_173 = arith.constant 16 : i32
        %parallel_loop3A_174 = arith.addi %parallel_loop3A_156, %parallel_loop3A_173 : i32
        %parallel_loop3A_175 = arith.constant 0 : i32
        %parallel_loop3A_176 = arith.index_cast %parallel_loop3A_175 : i32 to index
        %parallel_loop3A_177 = arith.index_cast %parallel_loop3A_174 : i32 to index
        %parallel_loop3A_178 = tpu.vector_load %arg6[%parallel_loop3A_176, %parallel_loop3A_177] {strides = array<i32>} : memref<2x32768xf32, #tpu.memory_space<vmem>>, vector<16xf32>,
        tpu.vector_store %arg6[%parallel_loop3A_176, %parallel_loop3A_177], %parallel_loop3A_172 {strides = array<i32>} : memref<2x32768xf32, #tpu.memory_space<vmem>>, vector<16xf32>,
        %parallel_loop3A_179 = arith.constant 2 : i32
        %parallel_loop3A_180 = vector.broadcast %parallel_loop3A_179 : i32 to vector<16x1xi32>
        %parallel_loop3A_181 = vector.shape_cast %parallel_loop3A_180 : vector<16x1xi32> to vector<16xi32>
        %parallel_loop3A_182 = tpu.dynamic_gather %parallel_loop3A_154[%parallel_loop3A_181] in [0] : vector<16xi32>, vector<16xi32> -> vector<16xi32>
        %parallel_loop3A_183 = tpu.vector_load_idx %arg7[%parallel_loop3A_182, %iota3A] : memref<22x16xf32, #tpu.memory_space<vmem>>[vector<16xi32>, vector<16xi32>], vector<16xf32>,
        %parallel_loop3A_184 = arith.constant 32 : i32
        %parallel_loop3A_185 = arith.addi %parallel_loop3A_156, %parallel_loop3A_184 : i32
        %parallel_loop3A_186 = arith.constant 0 : i32
        %parallel_loop3A_187 = arith.index_cast %parallel_loop3A_186 : i32 to index
        %parallel_loop3A_188 = arith.index_cast %parallel_loop3A_185 : i32 to index
        %parallel_loop3A_189 = tpu.vector_load %arg6[%parallel_loop3A_187, %parallel_loop3A_188] {strides = array<i32>} : memref<2x32768xf32, #tpu.memory_space<vmem>>, vector<16xf32>,
        tpu.vector_store %arg6[%parallel_loop3A_187, %parallel_loop3A_188], %parallel_loop3A_183 {strides = array<i32>} : memref<2x32768xf32, #tpu.memory_space<vmem>>, vector<16xf32>,
        %parallel_loop3A_190 = arith.constant 3 : i32
        %parallel_loop3A_191 = vector.broadcast %parallel_loop3A_190 : i32 to vector<16x1xi32>
        %parallel_loop3A_192 = vector.shape_cast %parallel_loop3A_191 : vector<16x1xi32> to vector<16xi32>
        %parallel_loop3A_193 = tpu.dynamic_gather %parallel_loop3A_154[%parallel_loop3A_192] in [0] : vector<16xi32>, vector<16xi32> -> vector<16xi32>
        %parallel_loop3A_194 = tpu.vector_load_idx %arg7[%parallel_loop3A_193, %iota3A] : memref<22x16xf32, #tpu.memory_space<vmem>>[vector<16xi32>, vector<16xi32>], vector<16xf32>,
        %parallel_loop3A_195 = arith.constant 48 : i32
        %parallel_loop3A_196 = arith.addi %parallel_loop3A_156, %parallel_loop3A_195 : i32
        %parallel_loop3A_197 = arith.constant 0 : i32
        %parallel_loop3A_198 = arith.index_cast %parallel_loop3A_197 : i32 to index
        %parallel_loop3A_199 = arith.index_cast %parallel_loop3A_196 : i32 to index
        %parallel_loop3A_200 = tpu.vector_load %arg6[%parallel_loop3A_198, %parallel_loop3A_199] {strides = array<i32>} : memref<2x32768xf32, #tpu.memory_space<vmem>>, vector<16xf32>,
        tpu.vector_store %arg6[%parallel_loop3A_198, %parallel_loop3A_199], %parallel_loop3A_194 {strides = array<i32>} : memref<2x32768xf32, #tpu.memory_space<vmem>>, vector<16xf32>,
        %parallel_loop3A_201 = arith.constant 4 : i32
        %parallel_loop3A_202 = vector.broadcast %parallel_loop3A_201 : i32 to vector<16x1xi32>
        %parallel_loop3A_203 = vector.shape_cast %parallel_loop3A_202 : vector<16x1xi32> to vector<16xi32>
        %parallel_loop3A_204 = tpu.dynamic_gather %parallel_loop3A_154[%parallel_loop3A_203] in [0] : vector<16xi32>, vector<16xi32> -> vector<16xi32>
        %parallel_loop3A_205 = tpu.vector_load_idx %arg7[%parallel_loop3A_204, %iota3A] : memref<22x16xf32, #tpu.memory_space<vmem>>[vector<16xi32>, vector<16xi32>], vector<16xf32>,
        %parallel_loop3A_206 = arith.constant 64 : i32
        %parallel_loop3A_207 = arith.addi %parallel_loop3A_156, %parallel_loop3A_206 : i32
        %parallel_loop3A_208 = arith.constant 0 : i32
        %parallel_loop3A_209 = arith.index_cast %parallel_loop3A_208 : i32 to index
        %parallel_loop3A_210 = arith.index_cast %parallel_loop3A_207 : i32 to index
        %parallel_loop3A_211 = tpu.vector_load %arg6[%parallel_loop3A_209, %parallel_loop3A_210] {strides = array<i32>} : memref<2x32768xf32, #tpu.memory_space<vmem>>, vector<16xf32>,
        tpu.vector_store %arg6[%parallel_loop3A_209, %parallel_loop3A_210], %parallel_loop3A_205 {strides = array<i32>} : memref<2x32768xf32, #tpu.memory_space<vmem>>, vector<16xf32>,
        %parallel_loop3A_212 = arith.constant 5 : i32
        %parallel_loop3A_213 = vector.broadcast %parallel_loop3A_212 : i32 to vector<16x1xi32>
        %parallel_loop3A_214 = vector.shape_cast %parallel_loop3A_213 : vector<16x1xi32> to vector<16xi32>
        %parallel_loop3A_215 = tpu.dynamic_gather %parallel_loop3A_154[%parallel_loop3A_214] in [0] : vector<16xi32>, vector<16xi32> -> vector<16xi32>
        %parallel_loop3A_216 = tpu.vector_load_idx %arg7[%parallel_loop3A_215, %iota3A] : memref<22x16xf32, #tpu.memory_space<vmem>>[vector<16xi32>, vector<16xi32>], vector<16xf32>,
        %parallel_loop3A_217 = arith.constant 80 : i32
        %parallel_loop3A_218 = arith.addi %parallel_loop3A_156, %parallel_loop3A_217 : i32
        %parallel_loop3A_219 = arith.constant 0 : i32
        %parallel_loop3A_220 = arith.index_cast %parallel_loop3A_219 : i32 to index
        %parallel_loop3A_221 = arith.index_cast %parallel_loop3A_218 : i32 to index
        %parallel_loop3A_222 = tpu.vector_load %arg6[%parallel_loop3A_220, %parallel_loop3A_221] {strides = array<i32>} : memref<2x32768xf32, #tpu.memory_space<vmem>>, vector<16xf32>,
        tpu.vector_store %arg6[%parallel_loop3A_220, %parallel_loop3A_221], %parallel_loop3A_216 {strides = array<i32>} : memref<2x32768xf32, #tpu.memory_space<vmem>>, vector<16xf32>,
        %parallel_loop3A_223 = arith.constant 6 : i32
        %parallel_loop3A_224 = vector.broadcast %parallel_loop3A_223 : i32 to vector<16x1xi32>
        %parallel_loop3A_225 = vector.shape_cast %parallel_loop3A_224 : vector<16x1xi32> to vector<16xi32>
        %parallel_loop3A_226 = tpu.dynamic_gather %parallel_loop3A_154[%parallel_loop3A_225] in [0] : vector<16xi32>, vector<16xi32> -> vector<16xi32>
        %parallel_loop3A_227 = tpu.vector_load_idx %arg7[%parallel_loop3A_226, %iota3A] : memref<22x16xf32, #tpu.memory_space<vmem>>[vector<16xi32>, vector<16xi32>], vector<16xf32>,
        %parallel_loop3A_228 = arith.constant 96 : i32
        %parallel_loop3A_229 = arith.addi %parallel_loop3A_156, %parallel_loop3A_228 : i32
        %parallel_loop3A_230 = arith.constant 0 : i32
        %parallel_loop3A_231 = arith.index_cast %parallel_loop3A_230 : i32 to index
        %parallel_loop3A_232 = arith.index_cast %parallel_loop3A_229 : i32 to index
        %parallel_loop3A_233 = tpu.vector_load %arg6[%parallel_loop3A_231, %parallel_loop3A_232] {strides = array<i32>} : memref<2x32768xf32, #tpu.memory_space<vmem>>, vector<16xf32>,
        tpu.vector_store %arg6[%parallel_loop3A_231, %parallel_loop3A_232], %parallel_loop3A_227 {strides = array<i32>} : memref<2x32768xf32, #tpu.memory_space<vmem>>, vector<16xf32>,
        %parallel_loop3A_234 = arith.constant 7 : i32
        %parallel_loop3A_235 = vector.broadcast %parallel_loop3A_234 : i32 to vector<16x1xi32>
        %parallel_loop3A_236 = vector.shape_cast %parallel_loop3A_235 : vector<16x1xi32> to vector<16xi32>
        %parallel_loop3A_237 = tpu.dynamic_gather %parallel_loop3A_154[%parallel_loop3A_236] in [0] : vector<16xi32>, vector<16xi32> -> vector<16xi32>
        %parallel_loop3A_238 = tpu.vector_load_idx %arg7[%parallel_loop3A_237, %iota3A] : memref<22x16xf32, #tpu.memory_space<vmem>>[vector<16xi32>, vector<16xi32>], vector<16xf32>,
        %parallel_loop3A_239 = arith.constant 112 : i32
        %parallel_loop3A_240 = arith.addi %parallel_loop3A_156, %parallel_loop3A_239 : i32
        %parallel_loop3A_241 = arith.constant 0 : i32
        %parallel_loop3A_242 = arith.index_cast %parallel_loop3A_241 : i32 to index
        %parallel_loop3A_243 = arith.index_cast %parallel_loop3A_240 : i32 to index
        %parallel_loop3A_244 = tpu.vector_load %arg6[%parallel_loop3A_242, %parallel_loop3A_243] {strides = array<i32>} : memref<2x32768xf32, #tpu.memory_space<vmem>>, vector<16xf32>,
        tpu.vector_store %arg6[%parallel_loop3A_242, %parallel_loop3A_243], %parallel_loop3A_238 {strides = array<i32>} : memref<2x32768xf32, #tpu.memory_space<vmem>>, vector<16xf32>,
        %parallel_loop3A_245 = arith.constant 8 : i32
        %parallel_loop3A_246 = vector.broadcast %parallel_loop3A_245 : i32 to vector<16x1xi32>
        %parallel_loop3A_247 = vector.shape_cast %parallel_loop3A_246 : vector<16x1xi32> to vector<16xi32>
        %parallel_loop3A_248 = tpu.dynamic_gather %parallel_loop3A_154[%parallel_loop3A_247] in [0] : vector<16xi32>, vector<16xi32> -> vector<16xi32>
        %parallel_loop3A_249 = tpu.vector_load_idx %arg7[%parallel_loop3A_248, %iota3A] : memref<22x16xf32, #tpu.memory_space<vmem>>[vector<16xi32>, vector<16xi32>], vector<16xf32>,
        %parallel_loop3A_250 = arith.constant 128 : i32
        %parallel_loop3A_251 = arith.addi %parallel_loop3A_156, %parallel_loop3A_250 : i32
        %parallel_loop3A_252 = arith.constant 0 : i32
        %parallel_loop3A_253 = arith.index_cast %parallel_loop3A_252 : i32 to index
        %parallel_loop3A_254 = arith.index_cast %parallel_loop3A_251 : i32 to index
        %parallel_loop3A_255 = tpu.vector_load %arg6[%parallel_loop3A_253, %parallel_loop3A_254] {strides = array<i32>} : memref<2x32768xf32, #tpu.memory_space<vmem>>, vector<16xf32>,
        tpu.vector_store %arg6[%parallel_loop3A_253, %parallel_loop3A_254], %parallel_loop3A_249 {strides = array<i32>} : memref<2x32768xf32, #tpu.memory_space<vmem>>, vector<16xf32>,
        %parallel_loop3A_256 = arith.constant 9 : i32
        %parallel_loop3A_257 = vector.broadcast %parallel_loop3A_256 : i32 to vector<16x1xi32>
        %parallel_loop3A_258 = vector.shape_cast %parallel_loop3A_257 : vector<16x1xi32> to vector<16xi32>
        %parallel_loop3A_259 = tpu.dynamic_gather %parallel_loop3A_154[%parallel_loop3A_258] in [0] : vector<16xi32>, vector<16xi32> -> vector<16xi32>
        %parallel_loop3A_260 = tpu.vector_load_idx %arg7[%parallel_loop3A_259, %iota3A] : memref<22x16xf32, #tpu.memory_space<vmem>>[vector<16xi32>, vector<16xi32>], vector<16xf32>,
        %parallel_loop3A_261 = arith.constant 144 : i32
        %parallel_loop3A_262 = arith.addi %parallel_loop3A_156, %parallel_loop3A_261 : i32
        %parallel_loop3A_263 = arith.constant 0 : i32
        %parallel_loop3A_264 = arith.index_cast %parallel_loop3A_263 : i32 to index
        %parallel_loop3A_265 = arith.index_cast %parallel_loop3A_262 : i32 to index
        %parallel_loop3A_266 = tpu.vector_load %arg6[%parallel_loop3A_264, %parallel_loop3A_265] {strides = array<i32>} : memref<2x32768xf32, #tpu.memory_space<vmem>>, vector<16xf32>,
        tpu.vector_store %arg6[%parallel_loop3A_264, %parallel_loop3A_265], %parallel_loop3A_260 {strides = array<i32>} : memref<2x32768xf32, #tpu.memory_space<vmem>>, vector<16xf32>,
        %parallel_loop3A_267 = arith.constant 10 : i32
        %parallel_loop3A_268 = vector.broadcast %parallel_loop3A_267 : i32 to vector<16x1xi32>
        %parallel_loop3A_269 = vector.shape_cast %parallel_loop3A_268 : vector<16x1xi32> to vector<16xi32>
        %parallel_loop3A_270 = tpu.dynamic_gather %parallel_loop3A_154[%parallel_loop3A_269] in [0] : vector<16xi32>, vector<16xi32> -> vector<16xi32>
        %parallel_loop3A_271 = tpu.vector_load_idx %arg7[%parallel_loop3A_270, %iota3A] : memref<22x16xf32, #tpu.memory_space<vmem>>[vector<16xi32>, vector<16xi32>], vector<16xf32>,
        %parallel_loop3A_272 = arith.constant 160 : i32
        %parallel_loop3A_273 = arith.addi %parallel_loop3A_156, %parallel_loop3A_272 : i32
        %parallel_loop3A_274 = arith.constant 0 : i32
        %parallel_loop3A_275 = arith.index_cast %parallel_loop3A_274 : i32 to index
        %parallel_loop3A_276 = arith.index_cast %parallel_loop3A_273 : i32 to index
        %parallel_loop3A_277 = tpu.vector_load %arg6[%parallel_loop3A_275, %parallel_loop3A_276] {strides = array<i32>} : memref<2x32768xf32, #tpu.memory_space<vmem>>, vector<16xf32>,
        tpu.vector_store %arg6[%parallel_loop3A_275, %parallel_loop3A_276], %parallel_loop3A_271 {strides = array<i32>} : memref<2x32768xf32, #tpu.memory_space<vmem>>, vector<16xf32>,
        %parallel_loop3A_278 = arith.constant 11 : i32
        %parallel_loop3A_279 = vector.broadcast %parallel_loop3A_278 : i32 to vector<16x1xi32>
        %parallel_loop3A_280 = vector.shape_cast %parallel_loop3A_279 : vector<16x1xi32> to vector<16xi32>
        %parallel_loop3A_281 = tpu.dynamic_gather %parallel_loop3A_154[%parallel_loop3A_280] in [0] : vector<16xi32>, vector<16xi32> -> vector<16xi32>
        %parallel_loop3A_282 = tpu.vector_load_idx %arg7[%parallel_loop3A_281, %iota3A] : memref<22x16xf32, #tpu.memory_space<vmem>>[vector<16xi32>, vector<16xi32>], vector<16xf32>,
        %parallel_loop3A_283 = arith.constant 176 : i32
        %parallel_loop3A_284 = arith.addi %parallel_loop3A_156, %parallel_loop3A_283 : i32
        %parallel_loop3A_285 = arith.constant 0 : i32
        %parallel_loop3A_286 = arith.index_cast %parallel_loop3A_285 : i32 to index
        %parallel_loop3A_287 = arith.index_cast %parallel_loop3A_284 : i32 to index
        %parallel_loop3A_288 = tpu.vector_load %arg6[%parallel_loop3A_286, %parallel_loop3A_287] {strides = array<i32>} : memref<2x32768xf32, #tpu.memory_space<vmem>>, vector<16xf32>,
        tpu.vector_store %arg6[%parallel_loop3A_286, %parallel_loop3A_287], %parallel_loop3A_282 {strides = array<i32>} : memref<2x32768xf32, #tpu.memory_space<vmem>>, vector<16xf32>,
        %parallel_loop3A_289 = arith.constant 12 : i32
        %parallel_loop3A_290 = vector.broadcast %parallel_loop3A_289 : i32 to vector<16x1xi32>
        %parallel_loop3A_291 = vector.shape_cast %parallel_loop3A_290 : vector<16x1xi32> to vector<16xi32>
        %parallel_loop3A_292 = tpu.dynamic_gather %parallel_loop3A_154[%parallel_loop3A_291] in [0] : vector<16xi32>, vector<16xi32> -> vector<16xi32>
        %parallel_loop3A_293 = tpu.vector_load_idx %arg7[%parallel_loop3A_292, %iota3A] : memref<22x16xf32, #tpu.memory_space<vmem>>[vector<16xi32>, vector<16xi32>], vector<16xf32>,
        %parallel_loop3A_294 = arith.constant 192 : i32
        %parallel_loop3A_295 = arith.addi %parallel_loop3A_156, %parallel_loop3A_294 : i32
        %parallel_loop3A_296 = arith.constant 0 : i32
        %parallel_loop3A_297 = arith.index_cast %parallel_loop3A_296 : i32 to index
        %parallel_loop3A_298 = arith.index_cast %parallel_loop3A_295 : i32 to index
        %parallel_loop3A_299 = tpu.vector_load %arg6[%parallel_loop3A_297, %parallel_loop3A_298] {strides = array<i32>} : memref<2x32768xf32, #tpu.memory_space<vmem>>, vector<16xf32>,
        tpu.vector_store %arg6[%parallel_loop3A_297, %parallel_loop3A_298], %parallel_loop3A_293 {strides = array<i32>} : memref<2x32768xf32, #tpu.memory_space<vmem>>, vector<16xf32>,
        %parallel_loop3A_300 = arith.constant 13 : i32
        %parallel_loop3A_301 = vector.broadcast %parallel_loop3A_300 : i32 to vector<16x1xi32>
        %parallel_loop3A_302 = vector.shape_cast %parallel_loop3A_301 : vector<16x1xi32> to vector<16xi32>
        %parallel_loop3A_303 = tpu.dynamic_gather %parallel_loop3A_154[%parallel_loop3A_302] in [0] : vector<16xi32>, vector<16xi32> -> vector<16xi32>
        %parallel_loop3A_304 = tpu.vector_load_idx %arg7[%parallel_loop3A_303, %iota3A] : memref<22x16xf32, #tpu.memory_space<vmem>>[vector<16xi32>, vector<16xi32>], vector<16xf32>,
        %parallel_loop3A_305 = arith.constant 208 : i32
        %parallel_loop3A_306 = arith.addi %parallel_loop3A_156, %parallel_loop3A_305 : i32
        %parallel_loop3A_307 = arith.constant 0 : i32
        %parallel_loop3A_308 = arith.index_cast %parallel_loop3A_307 : i32 to index
        %parallel_loop3A_309 = arith.index_cast %parallel_loop3A_306 : i32 to index
        %parallel_loop3A_310 = tpu.vector_load %arg6[%parallel_loop3A_308, %parallel_loop3A_309] {strides = array<i32>} : memref<2x32768xf32, #tpu.memory_space<vmem>>, vector<16xf32>,
        tpu.vector_store %arg6[%parallel_loop3A_308, %parallel_loop3A_309], %parallel_loop3A_304 {strides = array<i32>} : memref<2x32768xf32, #tpu.memory_space<vmem>>, vector<16xf32>,
        %parallel_loop3A_311 = arith.constant 14 : i32
        %parallel_loop3A_312 = vector.broadcast %parallel_loop3A_311 : i32 to vector<16x1xi32>
        %parallel_loop3A_313 = vector.shape_cast %parallel_loop3A_312 : vector<16x1xi32> to vector<16xi32>
        %parallel_loop3A_314 = tpu.dynamic_gather %parallel_loop3A_154[%parallel_loop3A_313] in [0] : vector<16xi32>, vector<16xi32> -> vector<16xi32>
        %parallel_loop3A_315 = tpu.vector_load_idx %arg7[%parallel_loop3A_314, %iota3A] : memref<22x16xf32, #tpu.memory_space<vmem>>[vector<16xi32>, vector<16xi32>], vector<16xf32>,
        %parallel_loop3A_316 = arith.constant 224 : i32
        %parallel_loop3A_317 = arith.addi %parallel_loop3A_156, %parallel_loop3A_316 : i32
        %parallel_loop3A_318 = arith.constant 0 : i32
        %parallel_loop3A_319 = arith.index_cast %parallel_loop3A_318 : i32 to index
        %parallel_loop3A_320 = arith.index_cast %parallel_loop3A_317 : i32 to index
        %parallel_loop3A_321 = tpu.vector_load %arg6[%parallel_loop3A_319, %parallel_loop3A_320] {strides = array<i32>} : memref<2x32768xf32, #tpu.memory_space<vmem>>, vector<16xf32>,
        tpu.vector_store %arg6[%parallel_loop3A_319, %parallel_loop3A_320], %parallel_loop3A_315 {strides = array<i32>} : memref<2x32768xf32, #tpu.memory_space<vmem>>, vector<16xf32>,
        %parallel_loop3A_322 = arith.constant 15 : i32
        %parallel_loop3A_323 = vector.broadcast %parallel_loop3A_322 : i32 to vector<16x1xi32>
        %parallel_loop3A_324 = vector.shape_cast %parallel_loop3A_323 : vector<16x1xi32> to vector<16xi32>
        %parallel_loop3A_325 = tpu.dynamic_gather %parallel_loop3A_154[%parallel_loop3A_324] in [0] : vector<16xi32>, vector<16xi32> -> vector<16xi32>
        %parallel_loop3A_326 = tpu.vector_load_idx %arg7[%parallel_loop3A_325, %iota3A] : memref<22x16xf32, #tpu.memory_space<vmem>>[vector<16xi32>, vector<16xi32>], vector<16xf32>,
        %parallel_loop3A_327 = arith.constant 240 : i32
        %parallel_loop3A_328 = arith.addi %parallel_loop3A_156, %parallel_loop3A_327 : i32
        %parallel_loop3A_329 = arith.constant 0 : i32
        %parallel_loop3A_330 = arith.index_cast %parallel_loop3A_329 : i32 to index
        %parallel_loop3A_331 = arith.index_cast %parallel_loop3A_328 : i32 to index
        %parallel_loop3A_332 = tpu.vector_load %arg6[%parallel_loop3A_330, %parallel_loop3A_331] {strides = array<i32>} : memref<2x32768xf32, #tpu.memory_space<vmem>>, vector<16xf32>,
        tpu.vector_store %arg6[%parallel_loop3A_330, %parallel_loop3A_331], %parallel_loop3A_326 {strides = array<i32>} : memref<2x32768xf32, #tpu.memory_space<vmem>>, vector<16xf32>,
      } {sc.loop_unroll_factor = 4 : i64, sc.parallel_access}
      %add3A_76 = arith.constant 2 : i32
      %add3A_77 = arith.addi %add3A_59, %add3A_76 : i32
      %lt3A = arith.constant 64 : i32
      %lt3A_78 = arith.cmpi slt, %add3A_77, %lt3A : i32
      %convert_element_type3A_79 = arith.extui %lt3A_78 : i1 to i32
      %cond3A_80 = arith.constant 0 : i32
      %cond3A_81 = arith.cmpi ne, %convert_element_type3A_79, %cond3A_80 : i32
      scf.if %cond3A_81 {
        %add3A_139 = arith.constant 2 : i32
        %add3A_140 = arith.addi %add3A_59, %add3A_139 : i32
        %mul3A_141 = arith.constant 2048 : i32
        %mul3A_142 = arith.muli %add3A_140, %mul3A_141 : i32
        %add3A_143 = arith.addi %mul3A_2, %mul3A_142 : i32
        %dma_start3A_144 = arith.constant 0 : i32
        %dma_start3A_145 = arith.constant 0 : i32
        %dma_start3A_146 = tpu.memref_slice %arg5[%dma_start3A_144, %dma_start3A_145] : memref<2x2048xi32, #tpu.memory_space<vmem>> -> memref<1x2048xi32, #tpu.memory_space<vmem>>
        %dma_start3A_147 = tpu.memref_squeeze %dma_start3A_146 : memref<1x2048xi32, #tpu.memory_space<vmem>> -> memref<2048xi32, #tpu.memory_space<vmem>>
        %dma_start3A_148 = tpu.memref_slice %arg2[%add3A_143] : memref<4194304xi32, #tpu.memory_space<hbm>> -> memref<2048xi32, #tpu.memory_space<hbm>>
        %dma_start3A_149 = arith.constant 0 : i32
        %dma_start3A_150 = tpu.memref_slice %arg5[%dma_start3A_144, %dma_start3A_149] : memref<2x2048xi32, #tpu.memory_space<vmem>> -> memref<1x2048xi32, #tpu.memory_space<vmem>>
        %dma_start3A_151 = tpu.memref_squeeze %dma_start3A_150 : memref<1x2048xi32, #tpu.memory_space<vmem>> -> memref<2048xi32, #tpu.memory_space<vmem>>
        %dma_start3A_152 = tpu.memref_slice %arg2[%add3A_143] : memref<4194304xi32, #tpu.memory_space<hbm>> -> memref<2048xi32, #tpu.memory_space<hbm>>
        tpu.enqueue_dma source(%dma_start3A_152 : memref<2048xi32, #tpu.memory_space<hbm>>) target(%dma_start3A_151 : memref<2048xi32, #tpu.memory_space<vmem>>) target_semaphore(%arg8 : memref<!tpu.dma_semaphore, #tpu.memory_space<semaphore_mem>>)
      } else {
      }
      %mul3A_82 = arith.constant 2048 : i32
      %mul3A_83 = arith.muli %add3A_59, %mul3A_82 : i32
      %add3A_84 = arith.addi %mul3A_2, %mul3A_83 : i32
      %mul3A_85 = arith.constant 16 : i32
      %mul3A_86 = arith.muli %add3A_84, %mul3A_85 : i32
      %dma_start3A_87 = arith.constant 0 : i32
      %dma_start3A_88 = arith.constant 0 : i32
      %dma_start3A_89 = tpu.memref_slice %arg6[%dma_start3A_87, %dma_start3A_88] : memref<2x32768xf32, #tpu.memory_space<vmem>> -> memref<1x32768xf32, #tpu.memory_space<vmem>>
      %dma_start3A_90 = tpu.memref_squeeze %dma_start3A_89 : memref<1x32768xf32, #tpu.memory_space<vmem>> -> memref<32768xf32, #tpu.memory_space<vmem>>
      %dma_start3A_91 = tpu.memref_slice %arg4[%mul3A_86] : memref<67108864xf32, #tpu.memory_space<hbm>> -> memref<32768xf32, #tpu.memory_space<hbm>>
      %dma_start3A_92 = tpu.memref_slice %arg4[%mul3A_86] : memref<67108864xf32, #tpu.memory_space<hbm>> -> memref<32768xf32, #tpu.memory_space<hbm>>
      %dma_start3A_93 = arith.constant 0 : i32
      %dma_start3A_94 = tpu.memref_slice %arg6[%dma_start3A_87, %dma_start3A_93] : memref<2x32768xf32, #tpu.memory_space<vmem>> -> memref<1x32768xf32, #tpu.memory_space<vmem>>
      %dma_start3A_95 = tpu.memref_squeeze %dma_start3A_94 : memref<1x32768xf32, #tpu.memory_space<vmem>> -> memref<32768xf32, #tpu.memory_space<vmem>>
      tpu.enqueue_dma source(%dma_start3A_95 : memref<32768xf32, #tpu.memory_space<vmem>>) target(%dma_start3A_92 : memref<32768xf32, #tpu.memory_space<hbm>>) target_semaphore(%arg10 : memref<!tpu.dma_semaphore, #tpu.memory_space<semaphore_mem>>)
      %add3A_96 = arith.constant 1 : i32
      %add3A_97 = arith.addi %add3A_57, %add3A_96 : i32
      %mul3A_98 = arith.constant 2048 : i32
      %mul3A_99 = arith.muli %add3A_97, %mul3A_98 : i32
      %add3A_100 = arith.addi %mul3A_2, %mul3A_99 : i32
      %dma_wait3A_101 = arith.constant 1 : i32
      %dma_wait3A_102 = arith.constant 0 : i32
      %dma_wait3A_103 = tpu.memref_slice %arg5[%dma_wait3A_101, %dma_wait3A_102] : memref<2x2048xi32, #tpu.memory_space<vmem>> -> memref<1x2048xi32, #tpu.memory_space<vmem>>
      %dma_wait3A_104 = tpu.memref_squeeze %dma_wait3A_103 : memref<1x2048xi32, #tpu.memory_space<vmem>> -> memref<2048xi32, #tpu.memory_space<vmem>>
      %dma_wait3A_105 = tpu.memref_slice %arg2[%add3A_100] : memref<4194304xi32, #tpu.memory_space<hbm>> -> memref<2048xi32, #tpu.memory_space<hbm>>
      %dma_wait3A_106 = arith.constant 0 : i32
      %dma_wait3A_107 = tpu.memref_slice %arg5[%dma_wait3A_101, %dma_wait3A_106] : memref<2x2048xi32, #tpu.memory_space<vmem>> -> memref<1x2048xi32, #tpu.memory_space<vmem>>
      %dma_wait3A_108 = tpu.memref_squeeze %dma_wait3A_107 : memref<1x2048xi32, #tpu.memory_space<vmem>> -> memref<2048xi32, #tpu.memory_space<vmem>>
      %dma_wait3A_109 = tpu.memref_slice %arg2[%add3A_100] : memref<4194304xi32, #tpu.memory_space<hbm>> -> memref<2048xi32, #tpu.memory_space<hbm>>
      tpu.wait_dma2 semaphore(%arg9 : memref<!tpu.dma_semaphore, #tpu.memory_space<semaphore_mem>>) src(%dma_wait3A_109 : memref<2048xi32, #tpu.memory_space<hbm>>) dst(%dma_wait3A_108 : memref<2048xi32, #tpu.memory_space<vmem>>)
      %ge3A_110 = arith.constant 2 : i32
      %ge3A_111 = arith.cmpi sge, %add3A_97, %ge3A_110 : i32
      %convert_element_type3A_112 = arith.extui %ge3A_111 : i1 to i32
      %cond3A_113 = arith.constant 0 : i32
      %cond3A_114 = arith.cmpi ne, %convert_element_type3A_112, %cond3A_113 : i32
      scf.if %cond3A_114 {
        %sub3A = arith.constant 2 : i32
        %sub3A_139 = arith.subi %add3A_97, %sub3A : i32
        %mul3A_140 = arith.constant 2048 : i32
        %mul3A_141 = arith.muli %sub3A_139, %mul3A_140 : i32
        %add3A_142 = arith.addi %mul3A_2, %mul3A_141 : i32
        %mul3A_143 = arith.constant 16 : i32
        %mul3A_144 = arith.muli %add3A_142, %mul3A_143 : i32
        %dma_wait3A_145 = arith.constant 1 : i32
        %dma_wait3A_146 = arith.constant 0 : i32
        %dma_wait3A_147 = tpu.memref_slice %arg6[%dma_wait3A_145, %dma_wait3A_146] : memref<2x32768xf32, #tpu.memory_space<vmem>> -> memref<1x32768xf32, #tpu.memory_space<vmem>>
        %dma_wait3A_148 = tpu.memref_squeeze %dma_wait3A_147 : memref<1x32768xf32, #tpu.memory_space<vmem>> -> memref<32768xf32, #tpu.memory_space<vmem>>
        %dma_wait3A_149 = tpu.memref_slice %arg4[%mul3A_144] : memref<67108864xf32, #tpu.memory_space<hbm>> -> memref<32768xf32, #tpu.memory_space<hbm>>
        %dma_wait3A_150 = tpu.memref_slice %arg4[%mul3A_144] : memref<67108864xf32, #tpu.memory_space<hbm>> -> memref<32768xf32, #tpu.memory_space<hbm>>
        %dma_wait3A_151 = arith.constant 0 : i32
        %dma_wait3A_152 = tpu.memref_slice %arg6[%dma_wait3A_145, %dma_wait3A_151] : memref<2x32768xf32, #tpu.memory_space<vmem>> -> memref<1x32768xf32, #tpu.memory_space<vmem>>
        %dma_wait3A_153 = tpu.memref_squeeze %dma_wait3A_152 : memref<1x32768xf32, #tpu.memory_space<vmem>> -> memref<32768xf32, #tpu.memory_space<vmem>>
        tpu.wait_dma2 semaphore(%arg11 : memref<!tpu.dma_semaphore, #tpu.memory_space<semaphore_mem>>) src(%dma_wait3A_153 : memref<32768xf32, #tpu.memory_space<vmem>>) dst(%dma_wait3A_150 : memref<32768xf32, #tpu.memory_space<hbm>>)
      } else {
      }
      %parallel_loop3A_115 = arith.constant 0 : i32
      %parallel_loop3A_116 = arith.constant 128 : i32
      %parallel_loop3A_117 = arith.constant 1 : i32
      scf.for %parallel_loop3A_139 = %parallel_loop3A_115 to %parallel_loop3A_116 step %parallel_loop3A_117  : i32 {
        %parallel_loop3A_140 = arith.constant 16 : i32
        %parallel_loop3A_141 = arith.muli %parallel_loop3A_139, %parallel_loop3A_140 : i32
        %parallel_loop3A_142 = arith.constant 1 : i32
        %parallel_loop3A_143 = arith.index_cast %parallel_loop3A_142 : i32 to index
        %parallel_loop3A_144 = arith.index_cast %parallel_loop3A_141 : i32 to index
        %parallel_loop3A_145 = tpu.vector_load %arg5[%parallel_loop3A_143, %parallel_loop3A_144] {strides = array<i32>} : memref<2x2048xi32, #tpu.memory_space<vmem>>, vector<16xi32>,
        %parallel_loop3A_146 = arith.constant 1 : i32
        %parallel_loop3A_147 = vector.broadcast %parallel_loop3A_146 : i32 to vector<16xi32>
        %parallel_loop3A_148 = arith.addi %parallel_loop3A_145, %parallel_loop3A_147 : vector<16xi32>
        %parallel_loop3A_149 = arith.constant 0 : i32
        %parallel_loop3A_150 = arith.constant 21 : i32
        %parallel_loop3A_151 = vector.broadcast %parallel_loop3A_149 : i32 to vector<16xi32>
        %parallel_loop3A_152 = arith.maxsi %parallel_loop3A_151, %parallel_loop3A_148 : vector<16xi32>
        %parallel_loop3A_153 = vector.broadcast %parallel_loop3A_150 : i32 to vector<16xi32>
        %parallel_loop3A_154 = arith.minsi %parallel_loop3A_153, %parallel_loop3A_152 : vector<16xi32>
        %parallel_loop3A_155 = arith.constant 256 : i32
        %parallel_loop3A_156 = arith.muli %parallel_loop3A_139, %parallel_loop3A_155 : i32
        %parallel_loop3A_157 = arith.constant 0 : i32
        %parallel_loop3A_158 = vector.broadcast %parallel_loop3A_157 : i32 to vector<16x1xi32>
        %parallel_loop3A_159 = vector.shape_cast %parallel_loop3A_158 : vector<16x1xi32> to vector<16xi32>
        %parallel_loop3A_160 = tpu.dynamic_gather %parallel_loop3A_154[%parallel_loop3A_159] in [0] : vector<16xi32>, vector<16xi32> -> vector<16xi32>
        %parallel_loop3A_161 = tpu.vector_load_idx %arg7[%parallel_loop3A_160, %iota3A] : memref<22x16xf32, #tpu.memory_space<vmem>>[vector<16xi32>, vector<16xi32>], vector<16xf32>,
        %parallel_loop3A_162 = arith.constant 0 : i32
        %parallel_loop3A_163 = arith.addi %parallel_loop3A_156, %parallel_loop3A_162 : i32
        %parallel_loop3A_164 = arith.constant 1 : i32
        %parallel_loop3A_165 = arith.index_cast %parallel_loop3A_164 : i32 to index
        %parallel_loop3A_166 = arith.index_cast %parallel_loop3A_163 : i32 to index
        %parallel_loop3A_167 = tpu.vector_load %arg6[%parallel_loop3A_165, %parallel_loop3A_166] {strides = array<i32>} : memref<2x32768xf32, #tpu.memory_space<vmem>>, vector<16xf32>,
        tpu.vector_store %arg6[%parallel_loop3A_165, %parallel_loop3A_166], %parallel_loop3A_161 {strides = array<i32>} : memref<2x32768xf32, #tpu.memory_space<vmem>>, vector<16xf32>,
        %parallel_loop3A_168 = arith.constant 1 : i32
        %parallel_loop3A_169 = vector.broadcast %parallel_loop3A_168 : i32 to vector<16x1xi32>
        %parallel_loop3A_170 = vector.shape_cast %parallel_loop3A_169 : vector<16x1xi32> to vector<16xi32>
        %parallel_loop3A_171 = tpu.dynamic_gather %parallel_loop3A_154[%parallel_loop3A_170] in [0] : vector<16xi32>, vector<16xi32> -> vector<16xi32>
        %parallel_loop3A_172 = tpu.vector_load_idx %arg7[%parallel_loop3A_171, %iota3A] : memref<22x16xf32, #tpu.memory_space<vmem>>[vector<16xi32>, vector<16xi32>], vector<16xf32>,
        %parallel_loop3A_173 = arith.constant 16 : i32
        %parallel_loop3A_174 = arith.addi %parallel_loop3A_156, %parallel_loop3A_173 : i32
        %parallel_loop3A_175 = arith.constant 1 : i32
        %parallel_loop3A_176 = arith.index_cast %parallel_loop3A_175 : i32 to index
        %parallel_loop3A_177 = arith.index_cast %parallel_loop3A_174 : i32 to index
        %parallel_loop3A_178 = tpu.vector_load %arg6[%parallel_loop3A_176, %parallel_loop3A_177] {strides = array<i32>} : memref<2x32768xf32, #tpu.memory_space<vmem>>, vector<16xf32>,
        tpu.vector_store %arg6[%parallel_loop3A_176, %parallel_loop3A_177], %parallel_loop3A_172 {strides = array<i32>} : memref<2x32768xf32, #tpu.memory_space<vmem>>, vector<16xf32>,
        %parallel_loop3A_179 = arith.constant 2 : i32
        %parallel_loop3A_180 = vector.broadcast %parallel_loop3A_179 : i32 to vector<16x1xi32>
        %parallel_loop3A_181 = vector.shape_cast %parallel_loop3A_180 : vector<16x1xi32> to vector<16xi32>
        %parallel_loop3A_182 = tpu.dynamic_gather %parallel_loop3A_154[%parallel_loop3A_181] in [0] : vector<16xi32>, vector<16xi32> -> vector<16xi32>
        %parallel_loop3A_183 = tpu.vector_load_idx %arg7[%parallel_loop3A_182, %iota3A] : memref<22x16xf32, #tpu.memory_space<vmem>>[vector<16xi32>, vector<16xi32>], vector<16xf32>,
        %parallel_loop3A_184 = arith.constant 32 : i32
        %parallel_loop3A_185 = arith.addi %parallel_loop3A_156, %parallel_loop3A_184 : i32
        %parallel_loop3A_186 = arith.constant 1 : i32
        %parallel_loop3A_187 = arith.index_cast %parallel_loop3A_186 : i32 to index
        %parallel_loop3A_188 = arith.index_cast %parallel_loop3A_185 : i32 to index
        %parallel_loop3A_189 = tpu.vector_load %arg6[%parallel_loop3A_187, %parallel_loop3A_188] {strides = array<i32>} : memref<2x32768xf32, #tpu.memory_space<vmem>>, vector<16xf32>,
        tpu.vector_store %arg6[%parallel_loop3A_187, %parallel_loop3A_188], %parallel_loop3A_183 {strides = array<i32>} : memref<2x32768xf32, #tpu.memory_space<vmem>>, vector<16xf32>,
        %parallel_loop3A_190 = arith.constant 3 : i32
        %parallel_loop3A_191 = vector.broadcast %parallel_loop3A_190 : i32 to vector<16x1xi32>
        %parallel_loop3A_192 = vector.shape_cast %parallel_loop3A_191 : vector<16x1xi32> to vector<16xi32>
        %parallel_loop3A_193 = tpu.dynamic_gather %parallel_loop3A_154[%parallel_loop3A_192] in [0] : vector<16xi32>, vector<16xi32> -> vector<16xi32>
        %parallel_loop3A_194 = tpu.vector_load_idx %arg7[%parallel_loop3A_193, %iota3A] : memref<22x16xf32, #tpu.memory_space<vmem>>[vector<16xi32>, vector<16xi32>], vector<16xf32>,
        %parallel_loop3A_195 = arith.constant 48 : i32
        %parallel_loop3A_196 = arith.addi %parallel_loop3A_156, %parallel_loop3A_195 : i32
        %parallel_loop3A_197 = arith.constant 1 : i32
        %parallel_loop3A_198 = arith.index_cast %parallel_loop3A_197 : i32 to index
        %parallel_loop3A_199 = arith.index_cast %parallel_loop3A_196 : i32 to index
        %parallel_loop3A_200 = tpu.vector_load %arg6[%parallel_loop3A_198, %parallel_loop3A_199] {strides = array<i32>} : memref<2x32768xf32, #tpu.memory_space<vmem>>, vector<16xf32>,
        tpu.vector_store %arg6[%parallel_loop3A_198, %parallel_loop3A_199], %parallel_loop3A_194 {strides = array<i32>} : memref<2x32768xf32, #tpu.memory_space<vmem>>, vector<16xf32>,
        %parallel_loop3A_201 = arith.constant 4 : i32
        %parallel_loop3A_202 = vector.broadcast %parallel_loop3A_201 : i32 to vector<16x1xi32>
        %parallel_loop3A_203 = vector.shape_cast %parallel_loop3A_202 : vector<16x1xi32> to vector<16xi32>
        %parallel_loop3A_204 = tpu.dynamic_gather %parallel_loop3A_154[%parallel_loop3A_203] in [0] : vector<16xi32>, vector<16xi32> -> vector<16xi32>
        %parallel_loop3A_205 = tpu.vector_load_idx %arg7[%parallel_loop3A_204, %iota3A] : memref<22x16xf32, #tpu.memory_space<vmem>>[vector<16xi32>, vector<16xi32>], vector<16xf32>,
        %parallel_loop3A_206 = arith.constant 64 : i32
        %parallel_loop3A_207 = arith.addi %parallel_loop3A_156, %parallel_loop3A_206 : i32
        %parallel_loop3A_208 = arith.constant 1 : i32
        %parallel_loop3A_209 = arith.index_cast %parallel_loop3A_208 : i32 to index
        %parallel_loop3A_210 = arith.index_cast %parallel_loop3A_207 : i32 to index
        %parallel_loop3A_211 = tpu.vector_load %arg6[%parallel_loop3A_209, %parallel_loop3A_210] {strides = array<i32>} : memref<2x32768xf32, #tpu.memory_space<vmem>>, vector<16xf32>,
        tpu.vector_store %arg6[%parallel_loop3A_209, %parallel_loop3A_210], %parallel_loop3A_205 {strides = array<i32>} : memref<2x32768xf32, #tpu.memory_space<vmem>>, vector<16xf32>,
        %parallel_loop3A_212 = arith.constant 5 : i32
        %parallel_loop3A_213 = vector.broadcast %parallel_loop3A_212 : i32 to vector<16x1xi32>
        %parallel_loop3A_214 = vector.shape_cast %parallel_loop3A_213 : vector<16x1xi32> to vector<16xi32>
        %parallel_loop3A_215 = tpu.dynamic_gather %parallel_loop3A_154[%parallel_loop3A_214] in [0] : vector<16xi32>, vector<16xi32> -> vector<16xi32>
        %parallel_loop3A_216 = tpu.vector_load_idx %arg7[%parallel_loop3A_215, %iota3A] : memref<22x16xf32, #tpu.memory_space<vmem>>[vector<16xi32>, vector<16xi32>], vector<16xf32>,
        %parallel_loop3A_217 = arith.constant 80 : i32
        %parallel_loop3A_218 = arith.addi %parallel_loop3A_156, %parallel_loop3A_217 : i32
        %parallel_loop3A_219 = arith.constant 1 : i32
        %parallel_loop3A_220 = arith.index_cast %parallel_loop3A_219 : i32 to index
        %parallel_loop3A_221 = arith.index_cast %parallel_loop3A_218 : i32 to index
        %parallel_loop3A_222 = tpu.vector_load %arg6[%parallel_loop3A_220, %parallel_loop3A_221] {strides = array<i32>} : memref<2x32768xf32, #tpu.memory_space<vmem>>, vector<16xf32>,
        tpu.vector_store %arg6[%parallel_loop3A_220, %parallel_loop3A_221], %parallel_loop3A_216 {strides = array<i32>} : memref<2x32768xf32, #tpu.memory_space<vmem>>, vector<16xf32>,
        %parallel_loop3A_223 = arith.constant 6 : i32
        %parallel_loop3A_224 = vector.broadcast %parallel_loop3A_223 : i32 to vector<16x1xi32>
        %parallel_loop3A_225 = vector.shape_cast %parallel_loop3A_224 : vector<16x1xi32> to vector<16xi32>
        %parallel_loop3A_226 = tpu.dynamic_gather %parallel_loop3A_154[%parallel_loop3A_225] in [0] : vector<16xi32>, vector<16xi32> -> vector<16xi32>
        %parallel_loop3A_227 = tpu.vector_load_idx %arg7[%parallel_loop3A_226, %iota3A] : memref<22x16xf32, #tpu.memory_space<vmem>>[vector<16xi32>, vector<16xi32>], vector<16xf32>,
        %parallel_loop3A_228 = arith.constant 96 : i32
        %parallel_loop3A_229 = arith.addi %parallel_loop3A_156, %parallel_loop3A_228 : i32
        %parallel_loop3A_230 = arith.constant 1 : i32
        %parallel_loop3A_231 = arith.index_cast %parallel_loop3A_230 : i32 to index
        %parallel_loop3A_232 = arith.index_cast %parallel_loop3A_229 : i32 to index
        %parallel_loop3A_233 = tpu.vector_load %arg6[%parallel_loop3A_231, %parallel_loop3A_232] {strides = array<i32>} : memref<2x32768xf32, #tpu.memory_space<vmem>>, vector<16xf32>,
        tpu.vector_store %arg6[%parallel_loop3A_231, %parallel_loop3A_232], %parallel_loop3A_227 {strides = array<i32>} : memref<2x32768xf32, #tpu.memory_space<vmem>>, vector<16xf32>,
        %parallel_loop3A_234 = arith.constant 7 : i32
        %parallel_loop3A_235 = vector.broadcast %parallel_loop3A_234 : i32 to vector<16x1xi32>
        %parallel_loop3A_236 = vector.shape_cast %parallel_loop3A_235 : vector<16x1xi32> to vector<16xi32>
        %parallel_loop3A_237 = tpu.dynamic_gather %parallel_loop3A_154[%parallel_loop3A_236] in [0] : vector<16xi32>, vector<16xi32> -> vector<16xi32>
        %parallel_loop3A_238 = tpu.vector_load_idx %arg7[%parallel_loop3A_237, %iota3A] : memref<22x16xf32, #tpu.memory_space<vmem>>[vector<16xi32>, vector<16xi32>], vector<16xf32>,
        %parallel_loop3A_239 = arith.constant 112 : i32
        %parallel_loop3A_240 = arith.addi %parallel_loop3A_156, %parallel_loop3A_239 : i32
        %parallel_loop3A_241 = arith.constant 1 : i32
        %parallel_loop3A_242 = arith.index_cast %parallel_loop3A_241 : i32 to index
        %parallel_loop3A_243 = arith.index_cast %parallel_loop3A_240 : i32 to index
        %parallel_loop3A_244 = tpu.vector_load %arg6[%parallel_loop3A_242, %parallel_loop3A_243] {strides = array<i32>} : memref<2x32768xf32, #tpu.memory_space<vmem>>, vector<16xf32>,
        tpu.vector_store %arg6[%parallel_loop3A_242, %parallel_loop3A_243], %parallel_loop3A_238 {strides = array<i32>} : memref<2x32768xf32, #tpu.memory_space<vmem>>, vector<16xf32>,
        %parallel_loop3A_245 = arith.constant 8 : i32
        %parallel_loop3A_246 = vector.broadcast %parallel_loop3A_245 : i32 to vector<16x1xi32>
        %parallel_loop3A_247 = vector.shape_cast %parallel_loop3A_246 : vector<16x1xi32> to vector<16xi32>
        %parallel_loop3A_248 = tpu.dynamic_gather %parallel_loop3A_154[%parallel_loop3A_247] in [0] : vector<16xi32>, vector<16xi32> -> vector<16xi32>
        %parallel_loop3A_249 = tpu.vector_load_idx %arg7[%parallel_loop3A_248, %iota3A] : memref<22x16xf32, #tpu.memory_space<vmem>>[vector<16xi32>, vector<16xi32>], vector<16xf32>,
        %parallel_loop3A_250 = arith.constant 128 : i32
        %parallel_loop3A_251 = arith.addi %parallel_loop3A_156, %parallel_loop3A_250 : i32
        %parallel_loop3A_252 = arith.constant 1 : i32
        %parallel_loop3A_253 = arith.index_cast %parallel_loop3A_252 : i32 to index
        %parallel_loop3A_254 = arith.index_cast %parallel_loop3A_251 : i32 to index
        %parallel_loop3A_255 = tpu.vector_load %arg6[%parallel_loop3A_253, %parallel_loop3A_254] {strides = array<i32>} : memref<2x32768xf32, #tpu.memory_space<vmem>>, vector<16xf32>,
        tpu.vector_store %arg6[%parallel_loop3A_253, %parallel_loop3A_254], %parallel_loop3A_249 {strides = array<i32>} : memref<2x32768xf32, #tpu.memory_space<vmem>>, vector<16xf32>,
        %parallel_loop3A_256 = arith.constant 9 : i32
        %parallel_loop3A_257 = vector.broadcast %parallel_loop3A_256 : i32 to vector<16x1xi32>
        %parallel_loop3A_258 = vector.shape_cast %parallel_loop3A_257 : vector<16x1xi32> to vector<16xi32>
        %parallel_loop3A_259 = tpu.dynamic_gather %parallel_loop3A_154[%parallel_loop3A_258] in [0] : vector<16xi32>, vector<16xi32> -> vector<16xi32>
        %parallel_loop3A_260 = tpu.vector_load_idx %arg7[%parallel_loop3A_259, %iota3A] : memref<22x16xf32, #tpu.memory_space<vmem>>[vector<16xi32>, vector<16xi32>], vector<16xf32>,
        %parallel_loop3A_261 = arith.constant 144 : i32
        %parallel_loop3A_262 = arith.addi %parallel_loop3A_156, %parallel_loop3A_261 : i32
        %parallel_loop3A_263 = arith.constant 1 : i32
        %parallel_loop3A_264 = arith.index_cast %parallel_loop3A_263 : i32 to index
        %parallel_loop3A_265 = arith.index_cast %parallel_loop3A_262 : i32 to index
        %parallel_loop3A_266 = tpu.vector_load %arg6[%parallel_loop3A_264, %parallel_loop3A_265] {strides = array<i32>} : memref<2x32768xf32, #tpu.memory_space<vmem>>, vector<16xf32>,
        tpu.vector_store %arg6[%parallel_loop3A_264, %parallel_loop3A_265], %parallel_loop3A_260 {strides = array<i32>} : memref<2x32768xf32, #tpu.memory_space<vmem>>, vector<16xf32>,
        %parallel_loop3A_267 = arith.constant 10 : i32
        %parallel_loop3A_268 = vector.broadcast %parallel_loop3A_267 : i32 to vector<16x1xi32>
        %parallel_loop3A_269 = vector.shape_cast %parallel_loop3A_268 : vector<16x1xi32> to vector<16xi32>
        %parallel_loop3A_270 = tpu.dynamic_gather %parallel_loop3A_154[%parallel_loop3A_269] in [0] : vector<16xi32>, vector<16xi32> -> vector<16xi32>
        %parallel_loop3A_271 = tpu.vector_load_idx %arg7[%parallel_loop3A_270, %iota3A] : memref<22x16xf32, #tpu.memory_space<vmem>>[vector<16xi32>, vector<16xi32>], vector<16xf32>,
        %parallel_loop3A_272 = arith.constant 160 : i32
        %parallel_loop3A_273 = arith.addi %parallel_loop3A_156, %parallel_loop3A_272 : i32
        %parallel_loop3A_274 = arith.constant 1 : i32
        %parallel_loop3A_275 = arith.index_cast %parallel_loop3A_274 : i32 to index
        %parallel_loop3A_276 = arith.index_cast %parallel_loop3A_273 : i32 to index
        %parallel_loop3A_277 = tpu.vector_load %arg6[%parallel_loop3A_275, %parallel_loop3A_276] {strides = array<i32>} : memref<2x32768xf32, #tpu.memory_space<vmem>>, vector<16xf32>,
        tpu.vector_store %arg6[%parallel_loop3A_275, %parallel_loop3A_276], %parallel_loop3A_271 {strides = array<i32>} : memref<2x32768xf32, #tpu.memory_space<vmem>>, vector<16xf32>,
        %parallel_loop3A_278 = arith.constant 11 : i32
        %parallel_loop3A_279 = vector.broadcast %parallel_loop3A_278 : i32 to vector<16x1xi32>
        %parallel_loop3A_280 = vector.shape_cast %parallel_loop3A_279 : vector<16x1xi32> to vector<16xi32>
        %parallel_loop3A_281 = tpu.dynamic_gather %parallel_loop3A_154[%parallel_loop3A_280] in [0] : vector<16xi32>, vector<16xi32> -> vector<16xi32>
        %parallel_loop3A_282 = tpu.vector_load_idx %arg7[%parallel_loop3A_281, %iota3A] : memref<22x16xf32, #tpu.memory_space<vmem>>[vector<16xi32>, vector<16xi32>], vector<16xf32>,
        %parallel_loop3A_283 = arith.constant 176 : i32
        %parallel_loop3A_284 = arith.addi %parallel_loop3A_156, %parallel_loop3A_283 : i32
        %parallel_loop3A_285 = arith.constant 1 : i32
        %parallel_loop3A_286 = arith.index_cast %parallel_loop3A_285 : i32 to index
        %parallel_loop3A_287 = arith.index_cast %parallel_loop3A_284 : i32 to index
        %parallel_loop3A_288 = tpu.vector_load %arg6[%parallel_loop3A_286, %parallel_loop3A_287] {strides = array<i32>} : memref<2x32768xf32, #tpu.memory_space<vmem>>, vector<16xf32>,
        tpu.vector_store %arg6[%parallel_loop3A_286, %parallel_loop3A_287], %parallel_loop3A_282 {strides = array<i32>} : memref<2x32768xf32, #tpu.memory_space<vmem>>, vector<16xf32>,
        %parallel_loop3A_289 = arith.constant 12 : i32
        %parallel_loop3A_290 = vector.broadcast %parallel_loop3A_289 : i32 to vector<16x1xi32>
        %parallel_loop3A_291 = vector.shape_cast %parallel_loop3A_290 : vector<16x1xi32> to vector<16xi32>
        %parallel_loop3A_292 = tpu.dynamic_gather %parallel_loop3A_154[%parallel_loop3A_291] in [0] : vector<16xi32>, vector<16xi32> -> vector<16xi32>
        %parallel_loop3A_293 = tpu.vector_load_idx %arg7[%parallel_loop3A_292, %iota3A] : memref<22x16xf32, #tpu.memory_space<vmem>>[vector<16xi32>, vector<16xi32>], vector<16xf32>,
        %parallel_loop3A_294 = arith.constant 192 : i32
        %parallel_loop3A_295 = arith.addi %parallel_loop3A_156, %parallel_loop3A_294 : i32
        %parallel_loop3A_296 = arith.constant 1 : i32
        %parallel_loop3A_297 = arith.index_cast %parallel_loop3A_296 : i32 to index
        %parallel_loop3A_298 = arith.index_cast %parallel_loop3A_295 : i32 to index
        %parallel_loop3A_299 = tpu.vector_load %arg6[%parallel_loop3A_297, %parallel_loop3A_298] {strides = array<i32>} : memref<2x32768xf32, #tpu.memory_space<vmem>>, vector<16xf32>,
        tpu.vector_store %arg6[%parallel_loop3A_297, %parallel_loop3A_298], %parallel_loop3A_293 {strides = array<i32>} : memref<2x32768xf32, #tpu.memory_space<vmem>>, vector<16xf32>,
        %parallel_loop3A_300 = arith.constant 13 : i32
        %parallel_loop3A_301 = vector.broadcast %parallel_loop3A_300 : i32 to vector<16x1xi32>
        %parallel_loop3A_302 = vector.shape_cast %parallel_loop3A_301 : vector<16x1xi32> to vector<16xi32>
        %parallel_loop3A_303 = tpu.dynamic_gather %parallel_loop3A_154[%parallel_loop3A_302] in [0] : vector<16xi32>, vector<16xi32> -> vector<16xi32>
        %parallel_loop3A_304 = tpu.vector_load_idx %arg7[%parallel_loop3A_303, %iota3A] : memref<22x16xf32, #tpu.memory_space<vmem>>[vector<16xi32>, vector<16xi32>], vector<16xf32>,
        %parallel_loop3A_305 = arith.constant 208 : i32
        %parallel_loop3A_306 = arith.addi %parallel_loop3A_156, %parallel_loop3A_305 : i32
        %parallel_loop3A_307 = arith.constant 1 : i32
        %parallel_loop3A_308 = arith.index_cast %parallel_loop3A_307 : i32 to index
        %parallel_loop3A_309 = arith.index_cast %parallel_loop3A_306 : i32 to index
        %parallel_loop3A_310 = tpu.vector_load %arg6[%parallel_loop3A_308, %parallel_loop3A_309] {strides = array<i32>} : memref<2x32768xf32, #tpu.memory_space<vmem>>, vector<16xf32>,
        tpu.vector_store %arg6[%parallel_loop3A_308, %parallel_loop3A_309], %parallel_loop3A_304 {strides = array<i32>} : memref<2x32768xf32, #tpu.memory_space<vmem>>, vector<16xf32>,
        %parallel_loop3A_311 = arith.constant 14 : i32
        %parallel_loop3A_312 = vector.broadcast %parallel_loop3A_311 : i32 to vector<16x1xi32>
        %parallel_loop3A_313 = vector.shape_cast %parallel_loop3A_312 : vector<16x1xi32> to vector<16xi32>
        %parallel_loop3A_314 = tpu.dynamic_gather %parallel_loop3A_154[%parallel_loop3A_313] in [0] : vector<16xi32>, vector<16xi32> -> vector<16xi32>
        %parallel_loop3A_315 = tpu.vector_load_idx %arg7[%parallel_loop3A_314, %iota3A] : memref<22x16xf32, #tpu.memory_space<vmem>>[vector<16xi32>, vector<16xi32>], vector<16xf32>,
        %parallel_loop3A_316 = arith.constant 224 : i32
        %parallel_loop3A_317 = arith.addi %parallel_loop3A_156, %parallel_loop3A_316 : i32
        %parallel_loop3A_318 = arith.constant 1 : i32
        %parallel_loop3A_319 = arith.index_cast %parallel_loop3A_318 : i32 to index
        %parallel_loop3A_320 = arith.index_cast %parallel_loop3A_317 : i32 to index
        %parallel_loop3A_321 = tpu.vector_load %arg6[%parallel_loop3A_319, %parallel_loop3A_320] {strides = array<i32>} : memref<2x32768xf32, #tpu.memory_space<vmem>>, vector<16xf32>,
        tpu.vector_store %arg6[%parallel_loop3A_319, %parallel_loop3A_320], %parallel_loop3A_315 {strides = array<i32>} : memref<2x32768xf32, #tpu.memory_space<vmem>>, vector<16xf32>,
        %parallel_loop3A_322 = arith.constant 15 : i32
        %parallel_loop3A_323 = vector.broadcast %parallel_loop3A_322 : i32 to vector<16x1xi32>
        %parallel_loop3A_324 = vector.shape_cast %parallel_loop3A_323 : vector<16x1xi32> to vector<16xi32>
        %parallel_loop3A_325 = tpu.dynamic_gather %parallel_loop3A_154[%parallel_loop3A_324] in [0] : vector<16xi32>, vector<16xi32> -> vector<16xi32>
        %parallel_loop3A_326 = tpu.vector_load_idx %arg7[%parallel_loop3A_325, %iota3A] : memref<22x16xf32, #tpu.memory_space<vmem>>[vector<16xi32>, vector<16xi32>], vector<16xf32>,
        %parallel_loop3A_327 = arith.constant 240 : i32
        %parallel_loop3A_328 = arith.addi %parallel_loop3A_156, %parallel_loop3A_327 : i32
        %parallel_loop3A_329 = arith.constant 1 : i32
        %parallel_loop3A_330 = arith.index_cast %parallel_loop3A_329 : i32 to index
        %parallel_loop3A_331 = arith.index_cast %parallel_loop3A_328 : i32 to index
        %parallel_loop3A_332 = tpu.vector_load %arg6[%parallel_loop3A_330, %parallel_loop3A_331] {strides = array<i32>} : memref<2x32768xf32, #tpu.memory_space<vmem>>, vector<16xf32>,
        tpu.vector_store %arg6[%parallel_loop3A_330, %parallel_loop3A_331], %parallel_loop3A_326 {strides = array<i32>} : memref<2x32768xf32, #tpu.memory_space<vmem>>, vector<16xf32>,
      } {sc.loop_unroll_factor = 4 : i64, sc.parallel_access}
      %add3A_118 = arith.constant 2 : i32
      %add3A_119 = arith.addi %add3A_97, %add3A_118 : i32
      %lt3A_120 = arith.constant 64 : i32
      %lt3A_121 = arith.cmpi slt, %add3A_119, %lt3A_120 : i32
      %convert_element_type3A_122 = arith.extui %lt3A_121 : i1 to i32
      %cond3A_123 = arith.constant 0 : i32
      %cond3A_124 = arith.cmpi ne, %convert_element_type3A_122, %cond3A_123 : i32
      scf.if %cond3A_124 {
        %add3A_139 = arith.constant 2 : i32
        %add3A_140 = arith.addi %add3A_97, %add3A_139 : i32
        %mul3A_141 = arith.constant 2048 : i32
        %mul3A_142 = arith.muli %add3A_140, %mul3A_141 : i32
        %add3A_143 = arith.addi %mul3A_2, %mul3A_142 : i32
        %dma_start3A_144 = arith.constant 1 : i32
        %dma_start3A_145 = arith.constant 0 : i32
        %dma_start3A_146 = tpu.memref_slice %arg5[%dma_start3A_144, %dma_start3A_145] : memref<2x2048xi32, #tpu.memory_space<vmem>> -> memref<1x2048xi32, #tpu.memory_space<vmem>>
        %dma_start3A_147 = tpu.memref_squeeze %dma_start3A_146 : memref<1x2048xi32, #tpu.memory_space<vmem>> -> memref<2048xi32, #tpu.memory_space<vmem>>
        %dma_start3A_148 = tpu.memref_slice %arg2[%add3A_143] : memref<4194304xi32, #tpu.memory_space<hbm>> -> memref<2048xi32, #tpu.memory_space<hbm>>
        %dma_start3A_149 = arith.constant 0 : i32
        %dma_start3A_150 = tpu.memref_slice %arg5[%dma_start3A_144, %dma_start3A_149] : memref<2x2048xi32, #tpu.memory_space<vmem>> -> memref<1x2048xi32, #tpu.memory_space<vmem>>
        %dma_start3A_151 = tpu.memref_squeeze %dma_start3A_150 : memref<1x2048xi32, #tpu.memory_space<vmem>> -> memref<2048xi32, #tpu.memory_space<vmem>>
        %dma_start3A_152 = tpu.memref_slice %arg2[%add3A_143] : memref<4194304xi32, #tpu.memory_space<hbm>> -> memref<2048xi32, #tpu.memory_space<hbm>>
        tpu.enqueue_dma source(%dma_start3A_152 : memref<2048xi32, #tpu.memory_space<hbm>>) target(%dma_start3A_151 : memref<2048xi32, #tpu.memory_space<vmem>>) target_semaphore(%arg9 : memref<!tpu.dma_semaphore, #tpu.memory_space<semaphore_mem>>)
      } else {
      }
      %mul3A_125 = arith.constant 2048 : i32
      %mul3A_126 = arith.muli %add3A_97, %mul3A_125 : i32
      %add3A_127 = arith.addi %mul3A_2, %mul3A_126 : i32
      %mul3A_128 = arith.constant 16 : i32
      %mul3A_129 = arith.muli %add3A_127, %mul3A_128 : i32
      %dma_start3A_130 = arith.constant 1 : i32
      %dma_start3A_131 = arith.constant 0 : i32
      %dma_start3A_132 = tpu.memref_slice %arg6[%dma_start3A_130, %dma_start3A_131] : memref<2x32768xf32, #tpu.memory_space<vmem>> -> memref<1x32768xf32, #tpu.memory_space<vmem>>
      %dma_start3A_133 = tpu.memref_squeeze %dma_start3A_132 : memref<1x32768xf32, #tpu.memory_space<vmem>> -> memref<32768xf32, #tpu.memory_space<vmem>>
      %dma_start3A_134 = tpu.memref_slice %arg4[%mul3A_129] : memref<67108864xf32, #tpu.memory_space<hbm>> -> memref<32768xf32, #tpu.memory_space<hbm>>
      %dma_start3A_135 = tpu.memref_slice %arg4[%mul3A_129] : memref<67108864xf32, #tpu.memory_space<hbm>> -> memref<32768xf32, #tpu.memory_space<hbm>>
      %dma_start3A_136 = arith.constant 0 : i32
      %dma_start3A_137 = tpu.memref_slice %arg6[%dma_start3A_130, %dma_start3A_136] : memref<2x32768xf32, #tpu.memory_space<vmem>> -> memref<1x32768xf32, #tpu.memory_space<vmem>>
      %dma_start3A_138 = tpu.memref_squeeze %dma_start3A_137 : memref<1x32768xf32, #tpu.memory_space<vmem>> -> memref<32768xf32, #tpu.memory_space<vmem>>
      tpu.enqueue_dma source(%dma_start3A_138 : memref<32768xf32, #tpu.memory_space<vmem>>) target(%dma_start3A_135 : memref<32768xf32, #tpu.memory_space<hbm>>) target_semaphore(%arg11 : memref<!tpu.dma_semaphore, #tpu.memory_space<semaphore_mem>>)
    }
    %scan3A_27 = arith.constant 32 : i32
    %add3A_28 = arith.constant 126976 : i32
    %add3A_29 = arith.addi %mul3A_2, %add3A_28 : i32
    %mul3A_30 = arith.constant 16 : i32
    %mul3A_31 = arith.muli %add3A_29, %mul3A_30 : i32
    %dma_wait3A = arith.constant 0 : i32
    %dma_wait3A_32 = arith.constant 0 : i32
    %dma_wait3A_33 = tpu.memref_slice %arg6[%dma_wait3A, %dma_wait3A_32] : memref<2x32768xf32, #tpu.memory_space<vmem>> -> memref<1x32768xf32, #tpu.memory_space<vmem>>
    %dma_wait3A_34 = tpu.memref_squeeze %dma_wait3A_33 : memref<1x32768xf32, #tpu.memory_space<vmem>> -> memref<32768xf32, #tpu.memory_space<vmem>>
    %dma_wait3A_35 = tpu.memref_slice %arg4[%mul3A_31] : memref<67108864xf32, #tpu.memory_space<hbm>> -> memref<32768xf32, #tpu.memory_space<hbm>>
    %dma_wait3A_36 = tpu.memref_slice %arg4[%mul3A_31] : memref<67108864xf32, #tpu.memory_space<hbm>> -> memref<32768xf32, #tpu.memory_space<hbm>>
    %dma_wait3A_37 = arith.constant 0 : i32
    %dma_wait3A_38 = tpu.memref_slice %arg6[%dma_wait3A, %dma_wait3A_37] : memref<2x32768xf32, #tpu.memory_space<vmem>> -> memref<1x32768xf32, #tpu.memory_space<vmem>>
    %dma_wait3A_39 = tpu.memref_squeeze %dma_wait3A_38 : memref<1x32768xf32, #tpu.memory_space<vmem>> -> memref<32768xf32, #tpu.memory_space<vmem>>
    tpu.wait_dma2 semaphore(%arg10 : memref<!tpu.dma_semaphore, #tpu.memory_space<semaphore_mem>>) src(%dma_wait3A_39 : memref<32768xf32, #tpu.memory_space<vmem>>) dst(%dma_wait3A_36 : memref<32768xf32, #tpu.memory_space<hbm>>)
    %add3A_40 = arith.constant 129024 : i32
    %add3A_41 = arith.addi %mul3A_2, %add3A_40 : i32
    %mul3A_42 = arith.constant 16 : i32
    %mul3A_43 = arith.muli %add3A_41, %mul3A_42 : i32
    %dma_wait3A_44 = arith.constant 1 : i32
    %dma_wait3A_45 = arith.constant 0 : i32
    %dma_wait3A_46 = tpu.memref_slice %arg6[%dma_wait3A_44, %dma_wait3A_45] : memref<2x32768xf32, #tpu.memory_space<vmem>> -> memref<1x32768xf32, #tpu.memory_space<vmem>>
    %dma_wait3A_47 = tpu.memref_squeeze %dma_wait3A_46 : memref<1x32768xf32, #tpu.memory_space<vmem>> -> memref<32768xf32, #tpu.memory_space<vmem>>
    %dma_wait3A_48 = tpu.memref_slice %arg4[%mul3A_43] : memref<67108864xf32, #tpu.memory_space<hbm>> -> memref<32768xf32, #tpu.memory_space<hbm>>
    %dma_wait3A_49 = tpu.memref_slice %arg4[%mul3A_43] : memref<67108864xf32, #tpu.memory_space<hbm>> -> memref<32768xf32, #tpu.memory_space<hbm>>
    %dma_wait3A_50 = arith.constant 0 : i32
    %dma_wait3A_51 = tpu.memref_slice %arg6[%dma_wait3A_44, %dma_wait3A_50] : memref<2x32768xf32, #tpu.memory_space<vmem>> -> memref<1x32768xf32, #tpu.memory_space<vmem>>
    %dma_wait3A_52 = tpu.memref_squeeze %dma_wait3A_51 : memref<1x32768xf32, #tpu.memory_space<vmem>> -> memref<32768xf32, #tpu.memory_space<vmem>>
    tpu.wait_dma2 semaphore(%arg11 : memref<!tpu.dma_semaphore, #tpu.memory_space<semaphore_mem>>) src(%dma_wait3A_52 : memref<32768xf32, #tpu.memory_space<vmem>>) dst(%dma_wait3A_49 : memref<32768xf32, #tpu.memory_space<hbm>>)
    return
  }
}

</mosaic_0001>

<sc_bundles>
// kernel: kernel.3.cloned.1.call-start
scs
__scs_entry_jumppad:
0x0: {  	(pc) =	sbr.rel $0x88, $3  }
0x1: {  	(tag) =	ssettag $0x0;
	lr =	simm.s32 $0x1  }
0x2: {  	[smem:$0x3F9F] =	sst lr;
	_ =	strace $0xD0000000  }
0x3: {  	_ = 	snop  }
0x4: {  	_ = 	snop  }
0x5: {  	_ = 	snop  }
0x6: {  	_ = 	snop  }
0x7: {  	_ = 	snop  }
__scs_overlays_trampoline_lowered:
0x8: {  	[smem:$0x3FAE] =	sst s0  }
0x9: {  	[smem:$0x3FAF] =	sst s1  }
0xa: {  	[smem:$0x3FB0] =	sst s2  }
0xb: {  	[smem:$0x3FB1] =	sst s3  }
0xc: {  	[smem:$0x3FB2] =	sst s4  }
0xd: {  	[smem:$0x3FB3] =	sst s5  }
0xe: {  	[smem:$0x3FB4] =	sst s6  }
0xf: {  	[smem:$0x3FB5] =	sst s7  }
0x10: {  	[smem:$0x3FB6] =	sst s8  }
0x11: {  	[smem:$0x3FB7] =	sst s9;
	s0 =	simm.s32 @!p0 $0x0  }
0x12: {  	s1 =	sld [smem:$0x3F9D];
	s0 =	simm.s32 @p0 $0x1  }
0x13: {  	[smem:$0x3FB8] =	sst s0;
	s0 =	simm.s32 @!p1 $0x0  }
0x14: {  	s2 =	sld [smem:$0x3F9C];
	s0 =	simm.s32 @p1 $0x1  }
0x15: {  	[smem:$0x3FB9] =	sst s0;
	s0 =	simm.s32 @!p2 $0x0  }
0x16: {  	s3 =	sld [smem:$0x3FDB];
	s0 =	simm.s32 @p2 $0x1  }
0x17: {  	s4 =	simm.s32 $0x1BF5;
	[smem:$0x3FBB] =	sst s0  }
0x18: {  	s0 =	sld [smem:$0x3F9E];
	_ =	swait.ge [sflag:s4], $0x0  }
0x19: {  	s7 =	sld [smem:$0x3F9F]  }
0x1a: {  	s8 =	sadd.s32 $0xFFFFE003, lr  }
0x1b: {  	s9 =	sadd.s32 $0xFFFFFEF7, lr;
	s5 =	simm.s32 $0xFFFFFFFF;
	p2 =	slt.u32 s8, $0xFFFFF086  }
0x1c: {  	p1 =	slt.u32 s9, $0xF7A;
	s5 =	simm.s32 @!p2 $0x0  }
0x1d: {  	s5 =	simm.s32 @p1 $0x1;
	p0 =	seq.s32 s7, s2  }
0x1e: {  	s7 =	smul.u32 @!p0 $0xF7A, s2;
	p2 =	seq.s32 @!p0 s5, $0x0  }
0x1f: {  	s9 =	smul.u32 $0xF7A, s1;
	s8 =	simm.s32 @!p0 $0x1BF5;
	p2 =	por !p2, p0  }
0x20: {  	[sflag:s8] =	ssyncset.s32 @!p0 $0xFFFFF086;
	s6 =	sadd.s32 @!p0 s3, s7;
	s7 =	simm.s32 @!p0 $0x108  }
0x21: {  	s3 =	sadd.s32 s3, s9;
	s6 =	sadd.s32 @!p0 $0x88, s6;
	s7 =	simm.s32 @p2 $0x1082  }
0x22: {  	[simem:s7], [sflag:s8] =	dma.local @!p0 [hbm:s6], $0xF7A  }
0x23: {  	s9 =	sor.u32 $0xD0000000, s2;
	s6 =	simm.s32 $0x108;
	_ =	swait.ge @!p0 [sflag:s8], $0x0  }
0x24: {  	s3 =	sadd.s32 $0x88, s3;
	s6 =	simm.s32 @!p1 $0x1082;
	[sflag:s4] =	ssyncset.s32 $0xFFFFF086  }
0x25: {  	[simem:s6], [sflag:s4] =	dma.local [hbm:s3], $0xF7A  }
0x26: {  	[smem:$0x3F9F] =	sst s1;
	(tag) =	ssettag s2;
	_ =	strace s9  }
0x27: {  	s1 =	sld [smem:$0x3FAF]  }
0x28: {  	s2 =	sld [smem:$0x3FB0]  }
0x29: {  	s4 =	sld [smem:$0x3FB2]  }
0x2a: {  	p0 =	seq.s32 s5, $0x0;
	s5 =	sld [smem:$0x3FB3]  }
0x2b: {  	s6 =	sld [smem:$0x3FB4]  }
0x2c: {  	s7 =	sld [smem:$0x3FB5]  }
0x2d: {  	s3 =	simm.s32 $0x108;
	s8 =	sld [smem:$0x3FB6]  }
0x2e: {  	s3 =	simm.s32 @!p0 $0x1082;
	s9 =	sld [smem:$0x3FB7]  }
0x2f: {  	lr =	sadd.s32 s0, s3;
	s0 =	sld [smem:$0x3FAE]  }
0x30: {  	s3 =	sld [smem:$0x3FB1]  }
0x31: {  	[smem:$0x3FBA] =	sst s10  }
0x32: {  	s10 =	sld [smem:$0x3FB8];
	_ =	sdelay $0x3  }
0x33: {  	p0 =	seq.s32 s10, $0x1;
	s10 =	sld [smem:$0x3FBA];
	_ =	sdelay $0x3  }
0x34: {  	[smem:$0x3FBA] =	sst s10  }
0x35: {  	s10 =	sld [smem:$0x3FB9];
	_ =	sdelay $0x3  }
0x36: {  	p1 =	seq.s32 s10, $0x1;
	s10 =	sld [smem:$0x3FBA];
	_ =	sdelay $0x3  }
0x37: {  	[smem:$0x3FBA] =	sst s10  }
0x38: {  	s10 =	sld [smem:$0x3FBB]  }
0x39: {  	_ = 	snop;
	(pc) =	sbr.ind lr, $3  }
0x3a: {  	_ = 	snop  }
0x3b: {  	_ = 	snop  }
0x3c: {  	p2 =	seq.s32 s10, $0x1;
	s10 =	sld [smem:$0x3FBA]  }
0x3d: {  	_ =	shalt  }
0x3e: {  	_ =	shalt  }
0x3f: {  	_ =	shalt  }
0x40: {  	_ =	shalt  }
0x41: {  	_ =	shalt  }
0x42: {  	_ =	shalt  }
0x43: {  	_ =	shalt  }
0x44: {  	_ =	shalt  }
0x45: {  	_ =	shalt  }
0x46: {  	_ =	shalt  }
0x47: {  	_ =	shalt  }
0x48: {  	_ =	shalt  }
0x49: {  	_ =	shalt  }
0x4a: {  	_ =	shalt  }
0x4b: {  	_ =	shalt  }
0x4c: {  	_ =	shalt  }
0x4d: {  	_ =	shalt  }
0x4e: {  	_ =	shalt  }
0x4f: {  	_ =	shalt  }
0x50: {  	_ =	shalt  }
0x51: {  	_ =	shalt  }
0x52: {  	_ =	shalt  }
0x53: {  	_ =	shalt  }
0x54: {  	_ =	shalt  }
0x55: {  	_ =	shalt  }
0x56: {  	_ =	shalt  }
0x57: {  	_ =	shalt  }
0x58: {  	_ =	shalt  }
0x59: {  	_ =	shalt  }
0x5a: {  	_ =	shalt  }
0x5b: {  	_ =	shalt  }
0x5c: {  	_ =	shalt  }
0x5d: {  	_ =	shalt  }
0x5e: {  	_ =	shalt  }
0x5f: {  	_ =	shalt  }
0x60: {  	_ =	shalt  }
0x61: {  	_ =	shalt  }
0x62: {  	_ =	shalt  }
0x63: {  	_ =	shalt  }
0x64: {  	_ =	shalt  }
0x65: {  	_ =	shalt  }
0x66: {  	_ =	shalt  }
0x67: {  	_ =	shalt  }
0x68: {  	_ =	shalt  }
0x69: {  	_ =	shalt  }
0x6a: {  	_ =	shalt  }
0x6b: {  	_ =	shalt  }
0x6c: {  	_ =	shalt  }
0x6d: {  	_ =	shalt  }
0x6e: {  	_ =	shalt  }
0x6f: {  	_ =	shalt  }
0x70: {  	_ =	shalt  }
0x71: {  	_ =	shalt  }
0x72: {  	_ =	shalt  }
0x73: {  	_ =	shalt  }
0x74: {  	_ =	shalt  }
0x75: {  	_ =	shalt  }
0x76: {  	_ =	shalt  }
0x77: {  	_ =	shalt  }
0x78: {  	_ =	shalt  }
0x79: {  	_ =	shalt  }
0x7a: {  	_ =	shalt  }
0x7b: {  	_ =	shalt  }
0x7c: {  	_ =	shalt  }
0x7d: {  	_ =	shalt  }
0x7e: {  	_ =	shalt  }
0x7f: {  	_ =	shalt  }
0x80: {  	_ =	shalt  }
0x81: {  	_ =	shalt  }
0x82: {  	_ =	shalt  }
0x83: {  	_ =	shalt  }
0x84: {  	_ =	shalt  }
0x85: {  	_ =	shalt  }
0x86: {  	_ =	shalt  }
0x87: {  	_ =	shalt  }
.Lfunc_end0:
.L_simem_size_0:
called_computation.1_lowered:
.L_overlay_start_0:
0x88: {  	s2 =	sld [smem:$0x3FD9]  }
0x89: {  	s3 =	sld [smem:$0x3FFE];
	_ =	sdelay $0x1  }
0x8a: {  	s1 =	srdreg.scid  }
0x8b: {  	s0 =	sand.u32 $0x1, s1  }
0x8c: {  	s17 =	sshll.u32 s0, $0xA;
	s2 =	sadd.s32 s3, s2  }
0x8d: {  	s2 =	sadd.s32 s2, s17  }
0x8e: {  	[smem:$0x3FC6] =	sst s2  }
0x8f: {  	_ = 	snop  }
0x90: {  	s2 =	sld [smem:$0x3FD0];
	(tm) =	ssettm $0x1  }
0x91: {  	s18 =	sld [smem:$0x3FFB];
	_ =	sdelay $0x3  }
0x92: {  	_ =	strace s18  }
0x93: {  	s3 =	sld [smem:$0x3FFC];
	_ =	sdelay $0x3  }
0x94: {  	_ =	strace s3  }
0x95: {  	s3 =	sld [smem:$0x3FFD];
	_ =	sdelay $0x3  }
0x96: {  	_ =	strace s3  }
0x97: {  	_ =	strace $0x8FFFFFFF  }
0x98: {  	s19 =	sld [smem:$0x3FDB];
	_ =	sdelay $0x1  }
0x99: {  	s4 =	simm.s32 $_scs_section_size  }
0x9a: {  	s5 =	simm.s32 $_size__tile_overlayer_lowered;
	s6 =	simm.s32 $_tile_overlayer_lowered  }
0x9b: {  	s22 =	simm.s32 $0x1BFF;
	s21 =	sshll.u32 s6, $0x1;
	s3 =	sadd.s32 s4, s19  }
0x9c: {  	s7 =	simm.s32 $0x0;
	s20 =	sshll.u32 s5, $0x1;
	s5 =	sadd.s32 s21, s3  }
0x9d: {  	[timem:s7], [sflag:s22] =	dma.local [hbm:s5], s20  }
0x9e: {  	_ =	swait.ge [sflag:s22], s20  }
0x9f: {  	s4 =	ssub.s32 $0x0, s20;
	[sflag:s22] =	ssyncset.done $0x0  }
0xa0: {  	[sflag:s22] =	ssyncadd.s32 s4;
	_ =	sdelay $0x1  }
0xa1: {  	s23 =	simm.s32 $0x1B8B  }
0xa2: {  	_ =	swait.ge [sflag:s23], $0x1  }
0xa3: {  	[sflag:s23] =	ssyncset.done $0x0  }
0xa4: {  	s25 =	simm.s32 $0x1B8E;
	s24 =	sld [smem:$0x3FFE];
	[sflag:s23] =	ssyncadd.s32 $0xFFFFFFFF  }
0xa5: {  	s26 =	simm.s32 $execute0_lowered;
	[smem:$0x3FD2] =	sst s25  }
0xa6: {  	s5 =	sshll.u32 s26, $0x1;
	_ =	strace $0x80000046;
	[dreg:$0x1] =	wrdreg $0xFFFFFFFF  }
0xa7: {  	s28 =	simm.s32 $_size_execute0_lowered;
	s3 =	sadd.s32 s3, s5;
	[dreg:$0x0] =	wrdreg $0x0  }
0xa8: {  	s5 =	sshll.u32 s28, $0x1;
	[dreg:$0x2] =	wrdreg s3  }
0xa9: {  	[dreg:$0x3] =	wrdreg s5  }
0xaa: {  	[dreg:$0x4] =	wrdreg $0xC0  }
0xab: {  	_ =	task [dreg:s7], $0x5FFFF  }
0xac: {  	[dreg:$0x1] =	wrdreg $0xFFFFFFFF  }
0xad: {  	[dreg:$0x0] =	wrdreg $0x60  }
0xae: {  	[dreg:$0x2] =	wrdreg s24  }
0xaf: {  	[dreg:$0x3] =	wrdreg s2  }
0xb0: {  	[dreg:$0x4] =	wrdreg $0x9  }
0xb1: {  	_ =	task.clear_ibuf [dreg:s7], $0x5FFFF;
	_ =	strace $0x90000046  }
0xb2: {  	s29 =	simm.s32 $0x9;
	_ =	strace $0x80000048  }
0xb3: {  	_ =	swait.ge [sflag:s29], $0x1  }
0xb4: {  	[sflag:s29] =	ssyncadd.s32 $0xFFFFFFFF  }
0xb5: {  	_ =	strace $0x90000048  }
0xb6: {  	_ =	sfence  }
0xb7: {  	s30 =	sld [smem:$0x0];
	_ =	sdelay $0x2  }
0xb8: {  	s31 =	sshll.u32 s1, $0xD;
	s1 =	sshrl.u32 s1, $0x2  }
0xb9: {  	s3 =	sand.u32 $0x4000, s31;
	s1 =	sadd.s32 s1, s30  }
0xba: {  	s0 =	sor.u32 s3, s0;
	s1 =	sshll.u32 s1, $0x11  }
0xbb: {  	s0 =	sor.u32 s1, s0  }
0xbc: {  	s0 =	sadd.s32 $0x8F2B, s0  }
0xbd: {  	[sflag:s0] =	ssyncadd.remote.s32 $0x1  }
0xbe: {  	_ =	sfence.sel $0xFFFF  }
0xbf: {  	[dreg:$0x0] =	wrdreg $0xFFFFFFFF;
	(pc) =	sbr.abs _section_cstart, $3  }
0xc0: {  	[dreg:$0x1] =	wrdreg $0xFFFFFFFF  }
0xc1: {  	_ =	task.clear_ibuf [dreg:s7], $0x2FFFF;
	_ =	strace $0x9FFFFFFF  }
0xc2: {  	(tm) =	ssettm $0x7FFFFFFF  }
0xc3: {  	_ =	shalt  }
tec
execute0_lowered:
.L_overlay_start_1:
0x0: {  	(tag) =	ssettag $0x1  }
0x1: {  	s6 =	rddreg [dreg:$0x0]  }
0x2: {  	s1 =	rddreg [dreg:$0x1]  }
0x3: {  	s0 =	rddreg [dreg:$0x2];
	s3 =	simm.s32 $0x0;
	s4 =	srdreg.scid  }
0x4: {  	s2 =	stileid.u32;
	s13 =	simm.s32 $0x11000;
	s14 =	simm.s32 $0x5  }
0x5: {  	s15 =	simm.s32 $0x800;
	s16 =	simm.s32 $0x1;
	s17 =	simm.s32 $0x1000  }
0x6: {  	s18 =	simm.s32 $0x2;
	s19 =	simm.s32 $0x9000;
	s20 =	simm.s32 $0x3  }
0x7: {  	s21 =	simm.s32 $0x4;
	s22 =	simm.s32 $0x0;
	[smem:$0x7FF] =	sst s3  }
0x8: {  	v0 =	vimm.s32 $0x1;
	v1 =	vimm.s32 $0x0;
	s5 =	sand.u32 $0x1, s4;
	s7 =	sshll.u32 s2, $0x12;
	s4 =	sadd.s32 $0xA00, s6  }
0x9: {  	v2 =	vimm.s32 $0x4;
	v3 =	vlaneseq.u32;
	v4 =	vimm.s32 $0x2;
	s6 =	sadd.s32 $0x800, s6;
	s8 =	sshll.u32 s5, $0x11;
	s9 =	ssub.s32 $0x2, s5  }
0xa: {  	v5 =	vimm.s32 $0x3;
	v6 =	vimm.s32 $0x5;
	v7 =	vimm.s32 $0x6;
	_ =	strace $0x80000047;
	s5 =	sor.u32 s8, s7;
	s31 =	sshrl.u32 s9, $0x1  }
0xb: {  	v8 =	vimm.s32 $0x7;
	v9 =	vimm.s32 $0x8;
	v10 =	vimm.s32 $0x9;
	s8 =	sshrl.u32 s5, $0x3;
	s12 =	ssub.s32 s9, s31;
	s10 =	sshll.u32 s5, $0x1  }
0xc: {  	v11 =	vimm.s32 $0xA;
	v12 =	vimm.s32 $0xB;
	v13 =	vimm.s32 $0xC;
	s9 =	sor.u32 $0x1000, s5;
	s11 =	sor.u32 $0x1800, s5;
	s7 =	sadd.s32 s4, s8  }
0xd: {  	v14 =	vimm.s32 $0xD;
	v15 =	vimm.s32 $0xE;
	v16 =	vimm.s32 $0xF;
	s10 =	sadd.s32 s1, s10;
	s12 =	smax.u32 s12, $0x1;
	s8 =	sadd.s32 $0x100, s7  }
.LBB2_1:
0xe: {  	[tilespmem:s13], [sflag:$0x5] =	stream.linear.gather [hbm4b:s6+s3], $0x160, $0x38;
	[tilespmem:$0x11160] =	vst v63  }
0xf: {  	_ =	swait.ge [sflag:s14], $0x160  }
0x10: {  	[sflag:s14] =	ssyncset.done $0x0  }
0x11: {  	[sflag:s14] =	ssyncadd.s32 $0xFFFFFEA0  }
0x12: {  	[tilespmem:s3], [sflag:$0x1] =	stream.linear.gather [hbm4b:s7+s3], $0x800, $0x38;
	[tilespmem:$0x11160] =	vst v63  }
0x13: {  	s23 =	simm.s32 $0x0  }
0x14: {  	[tilespmem:s15], [sflag:$0x2] =	stream.linear.gather [hbm4b:s8+s3], $0x800, $0x38;
	[tilespmem:$0x11160] =	vst v63  }
.LBB2_2:
0x15: {  	_ =	swait.ge [sflag:s16], $0x800  }
0x16: {  	p1 =	seq.s32 s23, $0x0;
	[sflag:s16] =	ssyncset.done $0x0  }
0x17: {  	s24 =	simm.s32 @!p1 $0x3;
	[sflag:s16] =	ssyncadd.s32 $0xFFFFF800  }
0x18: {  	_ =	swait.ge @!p1 [sflag:s24], $0x8000  }
0x19: {  	[sflag:s24] =	ssyncset.done @!p1 $0x0  }
0x1a: {  	s30 =	simm.s32 $0x20;
	[sflag:s24] =	ssyncadd.s32 @!p1 $0xFFFF8000  }
0x1b: {  	v17 =	vld [tilespmem:s30+$0x10]  }
0x1c: {  	v19 =	vld [tilespmem:s30+$0xFFFFFFE0]  }
0x1d: {  	v18 =	vld [tilespmem:s30+$0xFFFFFFF0];
	_ =	sdelay $0x1  }
0x1e: {  	v20 =	vld [tilespmem:s30+$0x0];
	_ =	sdelay $0x1  }
0x1f: {  	v17 =	vadd.s32 $0x1, v17;
	v19 =	vadd.s32 $0x1, v19  }
0x20: {  	v18 =	vadd.s32 $0x1, v18;
	vm0 =	vgt.s32 v17, $0x0;
	vm1 =	vgt.s32 v19, $0x0  }
0x21: {  	vm10 =	vgt.s32 v18, $0x0;
	v17 =	vnsel vm0, $0x0, v17;
	v19 =	vnsel vm1, $0x0, v19  }
0x22: {  	v18 =	vnsel vm10, $0x0, v18;
	v24 =	vmin.u32 v17, $0x15;
	v17 =	vadd.s32 $0x1, v20  }
0x23: {  	v19 =	vmin.u32 v19, $0x15;
	v18 =	vmin.u32 v18, $0x15;
	v20 =	vperm.xlane v24, v1  }
0x24: {  	v21 =	vperm.xlane v19, v1;
	v22 =	vperm.xlane v18, v1  }
0x25: {  	v25 =	vperm.xlane v19, v0;
	v26 =	vperm.xlane v24, v0  }
0x26: {  	v27 =	vperm.xlane v18, v0;
	v29 =	vperm.xlane v19, v4  }
0x27: {  	vm11 =	vgt.s32 v17, $0x0;
	v30 =	vperm.xlane v18, v4;
	v31 =	vperm.xlane v24, v4  }
0x28: {  	v33 =	vperm.xlane v19, v5;
	v62 =	vperm.xlane v19, v2;
	v20 =	vshll.u32 v20, $0x4  }
0x29: {  	v17 =	vnsel vm11, $0x0, v17;
	v21 =	vshll.u32 v21, $0x4;
	v20 =	vor.u32 v3, v20  }
0x2a: {  	v17 =	vmin.u32 v17, $0x15;
	v22 =	vshll.u32 v22, $0x4;
	v21 =	vor.u32 v3, v21  }
0x2b: {  	v35 =	vperm.xlane v24, v5;
	v23 =	vperm.xlane v17, v1;
	v22 =	vor.u32 v3, v22  }
0x2c: {  	v40 =	vperm.xlane v18, v2;
	v42 =	vperm.xlane v18, v6  }
0x2d: {  	v37 =	vperm.xlane v24, v2;
	v44 =	vperm.xlane v19, v7;
	v23 =	vshll.u32 v23, $0x4  }
0x2e: {  	v38 =	vperm.xlane v18, v7;
	v26 =	vshll.u32 v26, $0x4;
	v23 =	vor.u32 v3, v23;
	v20 =	vld.idx.msk [tilespmem:v20+s13+$0x0], $0xffff  }
0x2f: {  	v47 =	vperm.xlane v19, v8;
	v25 =	vshll.u32 v25, $0x4;
	v26 =	vor.u32 v3, v26;
	v21 =	vld.idx.msk [tilespmem:v21+s13+$0x0], $0xffff  }
0x30: {  	v49 =	vperm.xlane v24, v6;
	v27 =	vshll.u32 v27, $0x4;
	v25 =	vor.u32 v3, v25;
	v22 =	vld.idx.msk [tilespmem:v22+s13+$0x0], $0xffff  }
0x31: {  	v51 =	vperm.xlane v19, v9;
	v28 =	vperm.xlane v17, v0;
	v27 =	vor.u32 v3, v27  }
0x32: {  	s25 =	simm.s32 $0x1200;
	v53 =	vperm.xlane v19, v10;
	v54 =	vperm.xlane v19, v11  }
0x33: {  	v55 =	vperm.xlane v18, v11;
	v60 =	vperm.xlane v24, v11;
	v28 =	vshll.u32 v28, $0x4;
	v23 =	vld.idx.msk [tilespmem:v23+s13+$0x0], $0xffff;
	[tilespmem:s25+$0x100] =	vst v20  }
0x34: {  	v29 =	vshll.u32 v29, $0x4;
	v28 =	vor.u32 v3, v28;
	v20 =	vshll.u32 v31, $0x4;
	[tilespmem:s25+$0xFFFFFE00] =	vst v21;
	v26 =	vld.idx.msk [tilespmem:v26+s13+$0x0], $0xffff  }
0x35: {  	v30 =	vshll.u32 v30, $0x4;
	v35 =	vshll.u32 v35, $0x4;
	[tilespmem:s25+$0xFFFFFF00] =	vst v22;
	v20 =	vor.u32 v3, v20;
	v25 =	vld.idx.msk [tilespmem:v25+s13+$0x0], $0xffff  }
0x36: {  	v43 =	vshll.u32 v37, $0x4;
	v46 =	vshll.u32 v44, $0x4;
	v29 =	vor.u32 v3, v29;
	v27 =	vld.idx.msk [tilespmem:v27+s13+$0x0], $0xffff  }
0x37: {  	v38 =	vshll.u32 v38, $0x4;
	v32 =	vperm.xlane v17, v4;
	v30 =	vor.u32 v3, v30  }
0x38: {  	v37 =	vshll.u32 v47, $0x4;
	v52 =	vshll.u32 v51, $0x4;
	v34 =	vperm.xlane v17, v5;
	[tilespmem:s25+$0x0] =	vst v23  }
0x39: {  	v36 =	vperm.xlane v17, v2;
	v35 =	vor.u32 v3, v35;
	v32 =	vshll.u32 v32, $0x4;
	v28 =	vld.idx.msk [tilespmem:v28+s13+$0x0], $0xffff;
	[tilespmem:s25+$0x110] =	vst v26  }
0x3a: {  	v56 =	vshll.u32 v55, $0x4;
	v32 =	vor.u32 v3, v32;
	v31 =	vperm.xlane v18, v5;
	[tilespmem:s25+$0xFFFFFE10] =	vst v25;
	v20 =	vld.idx.msk [tilespmem:v20+s13+$0x0], $0xffff  }
0x3b: {  	v41 =	vshll.u32 v36, $0x4;
	v36 =	vshll.u32 v42, $0x4;
	v21 =	vshll.u32 v33, $0x4;
	[tilespmem:s25+$0xFFFFFF10] =	vst v27;
	v29 =	vld.idx.msk [tilespmem:v29+s13+$0x0], $0xffff  }
0x3c: {  	v21 =	vor.u32 v3, v21;
	v31 =	vshll.u32 v31, $0x4;
	v26 =	vperm.xlane v19, v6;
	v30 =	vld.idx.msk [tilespmem:v30+s13+$0x0], $0xffff  }
0x3d: {  	s31 =	simm.s32 $0x60;
	v31 =	vor.u32 v3, v31;
	v27 =	vor.u32 v3, v36;
	v36 =	vshll.u32 v49, $0x4  }
0x3e: {  	v49 =	vor.u32 v3, v52;
	v52 =	vld [tilespmem:s31+$0xFFFFFFF0];
	v25 =	vshll.u32 v26, $0x4;
	v26 =	vperm.xlane v17, v6;
	[tilespmem:s25+$0x10] =	vst v28  }
0x3f: {  	v51 =	vperm.xlane v24, v10;
	v45 =	vperm.xlane v17, v7;
	v34 =	vshll.u32 v34, $0x4;
	v32 =	vld.idx.msk [tilespmem:v32+s13+$0x0], $0xffff;
	[tilespmem:s25+$0x120] =	vst v20  }
0x40: {  	v44 =	vor.u32 v3, v38;
	v63 =	vor.u32 v3, v34;
	v26 =	vshll.u32 v26, $0x4;
	[tilespmem:s25+$0xFFFFFE20] =	vst v29;
	v28 =	vld.idx.msk [tilespmem:v35+s13+$0x0], $0xffff  }
0x41: {  	v22 =	vshll.u32 v62, $0x4;
	v20 =	vor.u32 v3, v26;
	v26 =	vor.u32 v3, v43;
	[tilespmem:s25+$0xFFFFFF20] =	vst v30;
	v21 =	vld.idx.msk [tilespmem:v21+s13+$0x0], $0xffff  }
0x42: {  	v50 =	vperm.xlane v17, v8;
	v22 =	vor.u32 v3, v22;
	v23 =	vshll.u32 v40, $0x4;
	v31 =	vld.idx.msk [tilespmem:v31+s13+$0x0], $0xffff  }
0x43: {  	v38 =	vor.u32 v3, v56;
	v48 =	vshll.u32 v45, $0x4;
	v23 =	vor.u32 v3, v23  }
0x44: {  	v34 =	vor.u32 v3, v41;
	v45 =	vor.u32 v3, v48;
	v30 =	vperm.xlane v18, v8;
	[tilespmem:s25+$0x20] =	vst v32  }
0x45: {  	v36 =	vor.u32 v3, v36;
	v25 =	vor.u32 v3, v25;
	v59 =	vadd.s32 $0x1, v52;
	v33 =	vld.idx.msk [tilespmem:v63+s13+$0x0], $0xffff;
	[tilespmem:s25+$0x130] =	vst v28  }
0x46: {  	v29 =	vor.u32 v3, v46;
	v28 =	vshll.u32 v30, $0x4;
	v30 =	vperm.xlane v18, v9;
	[tilespmem:s25+$0xFFFFFE30] =	vst v21;
	v26 =	vld.idx.msk [tilespmem:v26+s13+$0x0], $0xffff  }
0x47: {  	v35 =	vshll.u32 v50, $0x4;
	[tilespmem:s25+$0xFFFFFF30] =	vst v31;
	v47 =	vor.u32 v3, v28;
	v28 =	vperm.xlane v17, v9;
	v22 =	vld.idx.msk [tilespmem:v22+s13+$0x0], $0xffff  }
0x48: {  	v46 =	vor.u32 v3, v37;
	v48 =	vor.u32 v3, v35;
	v32 =	vshll.u32 v53, $0x4;
	v23 =	vld.idx.msk [tilespmem:v23+s13+$0x0], $0xffff  }
0x49: {  	v21 =	vshll.u32 v30, $0x4;
	v30 =	vperm.xlane v24, v7;
	v28 =	vshll.u32 v28, $0x4  }
0x4a: {  	v31 =	vperm.xlane v18, v10;
	[tilespmem:s25+$0x30] =	vst v33;
	v42 =	vor.u32 v3, v28;
	v28 =	vperm.xlane v17, v10  }
0x4b: {  	v43 =	vor.u32 v3, v32;
	v21 =	vor.u32 v3, v21;
	v30 =	vshll.u32 v30, $0x4;
	v34 =	vld.idx.msk [tilespmem:v34+s13+$0x0], $0xffff;
	[tilespmem:s25+$0x140] =	vst v26  }
0x4c: {  	v30 =	vor.u32 v3, v30;
	v26 =	vshll.u32 v31, $0x4;
	v28 =	vshll.u32 v28, $0x4;
	[tilespmem:s25+$0xFFFFFE40] =	vst v22;
	v31 =	vld.idx.msk [tilespmem:v36+s13+$0x0], $0xffff  }
0x4d: {  	v22 =	vperm.xlane v19, v12;
	[tilespmem:s25+$0xFFFFFF40] =	vst v23;
	v23 =	vperm.xlane v24, v8;
	v40 =	vor.u32 v3, v26  }
0x4e: {  	v39 =	vor.u32 v3, v28;
	v26 =	vperm.xlane v17, v11;
	v28 =	vshll.u32 v54, $0x4;
	v25 =	vld.idx.msk [tilespmem:v25+s13+$0x0], $0xffff  }
0x4f: {  	v27 =	vld.idx.msk [tilespmem:v27+s13+$0x0], $0xffff;
	v41 =	vor.u32 v3, v28;
	v28 =	vperm.xlane v18, v12;
	v23 =	vshll.u32 v23, $0x4  }
0x50: {  	v22 =	vshll.u32 v22, $0x4;
	v26 =	vshll.u32 v26, $0x4;
	[tilespmem:s25+$0x40] =	vst v34;
	v23 =	vor.u32 v3, v23  }
0x51: {  	v37 =	vor.u32 v3, v22;
	v22 =	vperm.xlane v18, v13;
	v28 =	vshll.u32 v28, $0x4;
	v20 =	vld.idx.msk [tilespmem:v20+s13+$0x0], $0xffff;
	[tilespmem:s25+$0x150] =	vst v31  }
0x52: {  	v36 =	vor.u32 v3, v26;
	v26 =	vperm.xlane v17, v12;
	v34 =	vor.u32 v3, v28;
	v30 =	vld.idx.msk [tilespmem:v30+s13+$0x0], $0xffff  }
0x53: {  	v28 =	vperm.xlane v17, v13;
	v22 =	vshll.u32 v22, $0x4;
	v31 =	vperm.xlane v19, v13;
	[tilespmem:s25+$0xFFFFFE50] =	vst v25  }
0x54: {  	v25 =	vshll.u32 v26, $0x4;
	[tilespmem:s25+$0xFFFFFF50] =	vst v27;
	v32 =	vor.u32 v3, v22;
	v22 =	vperm.xlane v18, v14;
	v50 =	vld.idx.msk [tilespmem:v29+s13+$0x0], $0xffff  }
0x55: {  	v35 =	vor.u32 v3, v25;
	v44 =	vld.idx.msk [tilespmem:v44+s13+$0x0], $0xffff;
	v25 =	vperm.xlane v24, v9;
	v26 =	vshll.u32 v31, $0x4  }
0x56: {  	v57 =	vld [tilespmem:s31+$0x10];
	v27 =	vshll.u32 v28, $0x4;
	v33 =	vor.u32 v3, v26;
	v26 =	vperm.xlane v19, v14;
	[tilespmem:s25+$0x50] =	vst v20  }
0x57: {  	v28 =	vperm.xlane v19, v15;
	v31 =	vor.u32 v3, v27;
	v22 =	vshll.u32 v22, $0x4;
	v45 =	vld.idx.msk [tilespmem:v45+s13+$0x0], $0xffff;
	[tilespmem:s25+$0x160] =	vst v30  }
0x58: {  	v20 =	vld.idx.msk [tilespmem:v23+s13+$0x0], $0xffff;
	v23 =	vshll.u32 v25, $0x4;
	v25 =	vshll.u32 v26, $0x4;
	v26 =	vperm.xlane v17, v14  }
0x59: {  	v53 =	vld [tilespmem:s31+$0xFFFFFFE0];
	v27 =	vor.u32 v3, v22;
	v22 =	vperm.xlane v18, v15;
	[tilespmem:s25+$0xFFFFFE60] =	vst v50;
	v23 =	vor.u32 v3, v23  }
0x5a: {  	v30 =	vperm.xlane v17, v15;
	[tilespmem:s25+$0xFFFFFF60] =	vst v44;
	v46 =	vld.idx.msk [tilespmem:v46+s13+$0x0], $0xffff;
	v29 =	vor.u32 v3, v25;
	v25 =	vshll.u32 v26, $0x4  }
0x5b: {  	v22 =	vshll.u32 v22, $0x4;
	v44 =	vld.idx.msk [tilespmem:v47+s13+$0x0], $0xffff;
	v26 =	vshll.u32 v28, $0x4;
	v28 =	vor.u32 v3, v25  }
0x5c: {  	[tilespmem:s25+$0x60] =	vst v45;
	v25 =	vor.u32 v3, v26;
	v26 =	vshll.u32 v30, $0x4;
	v30 =	vor.u32 v3, v22;
	v22 =	vld [tilespmem:s31+$0x0]  }
0x5d: {  	v58 =	vperm.xlane v17, v16;
	vm13 =	vgt.s32 v59, $0x0;
	v19 =	vperm.xlane v19, v16;
	v61 =	vld.idx.msk [tilespmem:v48+s13+$0x0], $0xffff;
	[tilespmem:s25+$0x170] =	vst v20  }
0x5e: {  	v62 =	vadd.s32 $0x1, v53;
	v18 =	vperm.xlane v18, v16;
	v20 =	vshll.u32 v51, $0x4;
	v23 =	vld.idx.msk [tilespmem:v23+s13+$0x0], $0xffff  }
0x5f: {  	v19 =	vshll.u32 v19, $0x4;
	[tilespmem:s25+$0xFFFFFE70] =	vst v46;
	v54 =	vor.u32 v3, v20;
	v20 =	vadd.s32 $0x1, v57  }
0x60: {  	vm14 =	vgt.s32 v62, $0x0;
	v19 =	vor.u32 v3, v19;
	[tilespmem:s25+$0xFFFFFF70] =	vst v44;
	v49 =	vld.idx.msk [tilespmem:v49+s13+$0x0], $0xffff;
	vm12 =	vgt.s32 v20, $0x0  }
0x61: {  	v17 =	vshll.u32 v18, $0x4;
	v18 =	vshll.u32 v58, $0x4;
	v58 =	vld.idx.msk [tilespmem:v21+s13+$0x0], $0xffff;
	v20 =	vnsel vm12, $0x0, v20  }
0x62: {  	v47 =	vnsel vm13, $0x0, v59;
	v22 =	vadd.s32 $0x1, v22;
	[tilespmem:s25+$0x70] =	vst v61;
	v20 =	vmin.u32 v20, $0x15  }
0x63: {  	v17 =	vor.u32 v3, v17;
	vm15 =	vgt.s32 v22, $0x0;
	v42 =	vld.idx.msk [tilespmem:v42+s13+$0x0], $0xffff;
	v63 =	vperm.xlane v20, v1;
	[tilespmem:s25+$0x180] =	vst v23  }
0x64: {  	v18 =	vor.u32 v3, v18;
	v57 =	vnsel vm15, $0x0, v22;
	v23 =	vshll.u32 v60, $0x4;
	v55 =	vld.idx.msk [tilespmem:v54+s13+$0x0], $0xffff  }
0x65: {  	v22 =	vmin.u32 v47, $0x15;
	[tilespmem:s25+$0xFFFFFE80] =	vst v49;
	v56 =	vor.u32 v3, v23;
	v45 =	vshll.u32 v63, $0x4  }
0x66: {  	v21 =	vmin.u32 v57, $0x15;
	v47 =	vperm.xlane v22, v1;
	[tilespmem:s25+$0xFFFFFF80] =	vst v58;
	v43 =	vld.idx.msk [tilespmem:v43+s13+$0x0], $0xffff;
	v59 =	vor.u32 v3, v45  }
0x67: {  	v26 =	vor.u32 v3, v26;
	v23 =	vnsel vm14, $0x0, v62;
	v62 =	vperm.xlane v21, v1;
	v40 =	vld.idx.msk [tilespmem:v40+s13+$0x0], $0xffff  }
0x68: {  	v61 =	vperm.xlane v24, v12;
	v23 =	vmin.u32 v23, $0x15;
	v47 =	vshll.u32 v47, $0x4;
	[tilespmem:s25+$0x80] =	vst v42  }
0x69: {  	v60 =	vperm.xlane v23, v1;
	v47 =	vor.u32 v3, v47;
	v49 =	vshll.u32 v62, $0x4;
	v39 =	vld.idx.msk [tilespmem:v39+s13+$0x0], $0xffff;
	[tilespmem:s25+$0x190] =	vst v55  }
0x6a: {  	v46 =	vshll.u32 v61, $0x4;
	v61 =	vperm.xlane v24, v13;
	v49 =	vor.u32 v3, v49;
	v51 =	vld.idx.msk [tilespmem:v56+s13+$0x0], $0xffff  }
0x6b: {  	v46 =	vor.u32 v3, v46;
	v57 =	vperm.xlane v22, v0;
	v45 =	vshll.u32 v60, $0x4;
	[tilespmem:s25+$0xFFFFFE90] =	vst v43;
	v44 =	vld.idx.msk [tilespmem:v59+s13+$0x0], $0xffff  }
0x6c: {  	v48 =	vshll.u32 v61, $0x4;
	v63 =	vperm.xlane v23, v0;
	v45 =	vor.u32 v3, v45;
	[tilespmem:s25+$0xFFFFFF90] =	vst v40;
	v41 =	vld.idx.msk [tilespmem:v41+s13+$0x0], $0xffff  }
0x6d: {  	v61 =	vperm.xlane v22, v5;
	v48 =	vor.u32 v3, v48;
	v62 =	vperm.xlane v23, v4;
	v38 =	vld.idx.msk [tilespmem:v38+s13+$0x0], $0xffff  }
0x6e: {  	v58 =	vshll.u32 v63, $0x4;
	v63 =	vperm.xlane v22, v4;
	v56 =	vperm.xlane v20, v0;
	v47 =	vld.idx.msk [tilespmem:v47+s13+$0x0], $0xffff  }
0x6f: {  	v60 =	vshll.u32 v57, $0x4;
	v57 =	vperm.xlane v20, v4;
	v59 =	vperm.xlane v21, v0;
	v49 =	vld.idx.msk [tilespmem:v49+s13+$0x0], $0xffff;
	[tilespmem:s25+$0x90] =	vst v39  }
0x70: {  	s26 =	simm.s32 $0x1600;
	v42 =	vor.u32 v3, v58;
	v43 =	vor.u32 v3, v60;
	v52 =	vshll.u32 v56, $0x4;
	v36 =	vld.idx.msk [tilespmem:v36+s13+$0x0], $0xffff;
	[tilespmem:s25+$0x1A0] =	vst v51  }
0x71: {  	v60 =	vperm.xlane v23, v5;
	v50 =	vshll.u32 v59, $0x4;
	v52 =	vor.u32 v3, v52;
	v45 =	vld.idx.msk [tilespmem:v45+s13+$0x0], $0xffff;
	[tilespmem:s26+$0x100] =	vst v44  }
0x72: {  	v55 =	vperm.xlane v21, v5;
	v50 =	vor.u32 v3, v50;
	[tilespmem:s25+$0xFFFFFEA0] =	vst v41;
	v46 =	vld.idx.msk [tilespmem:v46+s13+$0x0], $0xffff  }
0x73: {  	v58 =	vshll.u32 v63, $0x4;
	v54 =	vshll.u32 v57, $0x4;
	v63 =	vperm.xlane v23, v2;
	[tilespmem:s25+$0xFFFFFFA0] =	vst v38;
	v37 =	vld.idx.msk [tilespmem:v37+s13+$0x0], $0xffff  }
0x74: {  	v57 =	vperm.xlane v20, v5;
	v54 =	vor.u32 v3, v54;
	[tilespmem:s26+$0xFFFFFF00] =	vst v47;
	v34 =	vld.idx.msk [tilespmem:v34+s13+$0x0], $0xffff  }
0x75: {  	v40 =	vshll.u32 v60, $0x4;
	v60 =	vperm.xlane v21, v2;
	v59 =	vperm.xlane v21, v4;
	v43 =	vld.idx.msk [tilespmem:v43+s13+$0x0], $0xffff;
	[tilespmem:s26+$0x0] =	vst v49  }
0x76: {  	v39 =	vshll.u32 v61, $0x4;
	v40 =	vor.u32 v3, v40;
	v61 =	vperm.xlane v23, v6;
	v52 =	vld.idx.msk [tilespmem:v52+s13+$0x0], $0xffff;
	[tilespmem:s25+$0xA0] =	vst v36  }
0x77: {  	v39 =	vor.u32 v3, v39;
	v53 =	vshll.u32 v59, $0x4;
	v59 =	vperm.xlane v22, v2;
	v50 =	vld.idx.msk [tilespmem:v50+s13+$0x0], $0xffff;
	[tilespmem:s26+$0xFFFFFE00] =	vst v45  }
0x78: {  	v51 =	vshll.u32 v62, $0x4;
	v53 =	vor.u32 v3, v53;
	v62 =	vperm.xlane v24, v14;
	v35 =	vld.idx.msk [tilespmem:v35+s13+$0x0], $0xffff;
	[tilespmem:s25+$0x1B0] =	vst v46  }
0x79: {  	v56 =	vshll.u32 v55, $0x4;
	v44 =	vor.u32 v3, v51;
	v51 =	vor.u32 v3, v58;
	v42 =	vld.idx.msk [tilespmem:v42+s13+$0x0], $0xffff;
	[tilespmem:s25+$0xFFFFFEB0] =	vst v37  }
0x7a: {  	v47 =	vor.u32 v3, v56;
	v41 =	vshll.u32 v59, $0x4;
	v59 =	vperm.xlane v22, v7;
	[tilespmem:s25+$0xFFFFFFB0] =	vst v34;
	v48 =	vld.idx.msk [tilespmem:v48+s13+$0x0], $0xffff  }
0x7b: {  	v41 =	vor.u32 v3, v41;
	v45 =	vshll.u32 v63, $0x4;
	v63 =	vperm.xlane v22, v6;
	[tilespmem:s26+$0xFFFFFF10] =	vst v43;
	v33 =	vld.idx.msk [tilespmem:v33+s13+$0x0], $0xffff  }
0x7c: {  	v55 =	vor.u32 v3, v45;
	v45 =	vshll.u32 v61, $0x4;
	v46 =	vshll.u32 v62, $0x4;
	v32 =	vld.idx.msk [tilespmem:v32+s13+$0x0], $0xffff;
	[tilespmem:s26+$0x110] =	vst v52  }
0x7d: {  	v61 =	vperm.xlane v20, v2;
	v46 =	vor.u32 v3, v46;
	v52 =	vshll.u32 v57, $0x4;
	[tilespmem:s26+$0x10] =	vst v50;
	v58 =	vld.idx.msk [tilespmem:v54+s13+$0x0], $0xffff  }
0x7e: {  	v62 =	vperm.xlane v24, v15;
	v51 =	vld.idx.msk [tilespmem:v51+s13+$0x0], $0xffff;
	v52 =	vor.u32 v3, v52;
	[tilespmem:s25+$0xB0] =	vst v35  }
0x7f: {  	v56 =	vor.u32 v3, v45;
	v24 =	vperm.xlane v24, v16;
	v45 =	vshll.u32 v59, $0x4;
	v38 =	vld.idx.msk [tilespmem:v53+s13+$0x0], $0xffff;
	[tilespmem:s26+$0xFFFFFE10] =	vst v42  }
0x80: {  	v59 =	vperm.xlane v23, v10;
	v57 =	vshll.u32 v61, $0x4;
	v61 =	vperm.xlane v23, v8;
	v31 =	vld.idx.msk [tilespmem:v31+s13+$0x0], $0xffff;
	[tilespmem:s25+$0x1C0] =	vst v48  }
0x81: {  	v24 =	vshll.u32 v24, $0x4;
	v54 =	vshll.u32 v60, $0x4;
	v60 =	vperm.xlane v21, v6;
	v44 =	vld.idx.msk [tilespmem:v44+s13+$0x0], $0xffff;
	[tilespmem:s25+$0xFFFFFFC0] =	vst v32  }
0x82: {  	v43 =	vshll.u32 v63, $0x4;
	v50 =	vor.u32 v3, v45;
	v24 =	vor.u32 v3, v24;
	v46 =	vld.idx.msk [tilespmem:v46+s13+$0x0], $0xffff;
	[tilespmem:s26+$0x120] =	vst v58  }
0x83: {  	v48 =	vshll.u32 v62, $0x4;
	v62 =	vshll.u32 v60, $0x4;
	v60 =	vperm.xlane v21, v7;
	[tilespmem:s26+$0xFFFFFF20] =	vst v51;
	v63 =	vld.idx.msk [tilespmem:v52+s13+$0x0], $0xffff  }
0x84: {  	v48 =	vor.u32 v3, v48;
	v58 =	vperm.xlane v23, v7;
	v39 =	vld.idx.msk [tilespmem:v39+s13+$0x0], $0xffff;
	[tilespmem:s26+$0x20] =	vst v38  }
0x85: {  	v52 =	vor.u32 v3, v43;
	v43 =	vor.u32 v3, v57;
	v47 =	vld.idx.msk [tilespmem:v47+s13+$0x0], $0xffff;
	[tilespmem:s25+$0xC0] =	vst v31  }
0x86: {  	v42 =	vor.u32 v3, v54;
	v53 =	vor.u32 v3, v62;
	v62 =	vshll.u32 v60, $0x4;
	v31 =	vld.idx.msk [tilespmem:v27+s13+$0x0], $0xffff;
	[tilespmem:s26+$0xFFFFFE20] =	vst v44  }
0x87: {  	v51 =	vperm.xlane v22, v8;
	v54 =	vor.u32 v3, v62;
	v36 =	vshll.u32 v58, $0x4;
	v32 =	vld.idx.msk [tilespmem:v28+s13+$0x0], $0xffff;
	[tilespmem:s25+$0x1D0] =	vst v46  }
0x88: {  	v44 =	vshll.u32 v61, $0x4;
	v61 =	vperm.xlane v23, v9;
	v40 =	vld.idx.msk [tilespmem:v40+s13+$0x0], $0xffff;
	[tilespmem:s26+$0x130] =	vst v63;
	v63 =	vperm.xlane v20, v6  }
0x89: {  	v38 =	vshll.u32 v51, $0x4;
	v58 =	vperm.xlane v20, v7;
	v49 =	vor.u32 v3, v36;
	v48 =	vld.idx.msk [tilespmem:v48+s13+$0x0], $0xffff;
	[tilespmem:s26+$0xFFFFFF30] =	vst v39  }
0x8a: {  	v57 =	vor.u32 v3, v44;
	v37 =	vshll.u32 v61, $0x4;
	[tilespmem:s26+$0x30] =	vst v47;
	v36 =	vld.idx.msk [tilespmem:v43+s13+$0x0], $0xffff;
	v60 =	vshll.u32 v63, $0x4  }
0x8b: {  	v61 =	vperm.xlane v21, v10;
	[tilespmem:s25+$0xFFFFFFD0] =	vst v31;
	v43 =	vperm.xlane v21, v8;
	v62 =	vor.u32 v3, v60  }
0x8c: {  	v46 =	vor.u32 v3, v38;
	v31 =	vperm.xlane v22, v15;
	[tilespmem:s25+$0xD0] =	vst v32;
	v63 =	vperm.xlane v22, v9  }
0x8d: {  	v41 =	vld.idx.msk [tilespmem:v41+s13+$0x0], $0xffff;
	v32 =	vperm.xlane v21, v15;
	[tilespmem:s26+$0xFFFFFE30] =	vst v40;
	v43 =	vshll.u32 v43, $0x4;
	v60 =	vperm.xlane v22, v10  }
0x8e: {  	[tilespmem:s25+$0x1E0] =	vst v48;
	v45 =	vor.u32 v3, v43;
	v48 =	vld.idx.msk [tilespmem:v55+s13+$0x0], $0xffff;
	v43 =	vor.u32 v3, v37;
	v51 =	vshll.u32 v63, $0x4  }
0x8f: {  	v34 =	vld.idx.msk [tilespmem:v42+s13+$0x0], $0xffff;
	v55 =	vperm.xlane v21, v9;
	v40 =	vor.u32 v3, v51;
	v63 =	vshll.u32 v60, $0x4;
	[tilespmem:s26+$0x140] =	vst v36  }
0x90: {  	v51 =	vshll.u32 v61, $0x4;
	v60 =	vperm.xlane v21, v11;
	v36 =	vshll.u32 v58, $0x4;
	v47 =	vld.idx.msk [tilespmem:v62+s13+$0x0], $0xffff  }
0x91: {  	[tilespmem:s25+$0xFFFFFEC0] =	vst v33;
	v24 =	vld.idx.msk [tilespmem:v24+s13+$0x0], $0xffff;
	v61 =	vperm.xlane v20, v8;
	v38 =	vshll.u32 v55, $0x4;
	v36 =	vor.u32 v3, v36  }
0x92: {  	[tilespmem:s26+$0xFFFFFF40] =	vst v41;
	v55 =	vperm.xlane v23, v11;
	v58 =	vperm.xlane v22, v11;
	v39 =	vor.u32 v3, v51  }
0x93: {  	v52 =	vld.idx.msk [tilespmem:v52+s13+$0x0], $0xffff;
	v42 =	vor.u32 v3, v38;
	v38 =	vor.u32 v3, v63;
	v62 =	vshll.u32 v59, $0x4;
	[tilespmem:s26+$0xFFFFFE40] =	vst v48  }
0x94: {  	[tilespmem:s26+$0x40] =	vst v34;
	v59 =	vperm.xlane v23, v12;
	v35 =	vshll.u32 v55, $0x4;
	v37 =	vshll.u32 v58, $0x4;
	v33 =	vld.idx.msk [tilespmem:v56+s13+$0x0], $0xffff  }
0x95: {  	v53 =	vld.idx.msk [tilespmem:v53+s13+$0x0], $0xffff;
	v44 =	vor.u32 v3, v62;
	v41 =	vor.u32 v3, v35;
	v62 =	vshll.u32 v60, $0x4;
	[tilespmem:s26+$0x150] =	vst v47  }
0x96: {  	[tilespmem:s25+$0x1F0] =	vst v24;
	v24 =	vperm.xlane v22, v12;
	v35 =	vor.u32 v3, v62;
	v56 =	vshll.u32 v61, $0x4;
	v63 =	vld.idx.msk [tilespmem:v36+s13+$0x0], $0xffff  }
0x97: {  	v58 =	vshll.u32 v59, $0x4;
	v59 =	vperm.xlane v21, v12;
	v61 =	vld.idx.msk [tilespmem:v29+s13+$0x0], $0xffff;
	v29 =	vperm.xlane v23, v13  }
0x98: {  	v62 =	vperm.xlane v21, v13;
	v60 =	vor.u32 v3, v56;
	[tilespmem:s26+$0xFFFFFF50] =	vst v52;
	v24 =	vshll.u32 v24, $0x4  }
0x99: {  	v56 =	vld.idx.msk [tilespmem:v50+s13+$0x0], $0xffff;
	[tilespmem:s26+$0xFFFFFE50] =	vst v33;
	v33 =	vor.u32 v3, v24;
	v24 =	vperm.xlane v22, v13  }
0x9a: {  	v27 =	vshll.u32 v59, $0x4;
	v28 =	vshll.u32 v29, $0x4;
	[tilespmem:s26+$0x50] =	vst v53;
	v59 =	vperm.xlane v22, v14;
	v50 =	vld.idx.msk [tilespmem:v30+s13+$0x0], $0xffff  }
0x9b: {  	v34 =	vor.u32 v3, v27;
	v47 =	vld.idx.msk [tilespmem:v49+s13+$0x0], $0xffff;
	v24 =	vshll.u32 v24, $0x4;
	[tilespmem:s26+$0x160] =	vst v63;
	v63 =	vperm.xlane v20, v9  }
0x9c: {  	v29 =	vor.u32 v3, v28;
	v52 =	vld.idx.msk [tilespmem:v54+s13+$0x0], $0xffff;
	v27 =	vor.u32 v3, v24;
	v24 =	vshll.u32 v62, $0x4  }
0x9d: {  	v36 =	vor.u32 v3, v58;
	v28 =	vor.u32 v3, v24;
	v51 =	vld.idx.msk [tilespmem:v60+s13+$0x0], $0xffff;
	v24 =	vshll.u32 v63, $0x4  }
0x9e: {  	v58 =	vperm.xlane v23, v14;
	[tilespmem:s25+$0xFFFFFED0] =	vst v61;
	v61 =	vperm.xlane v21, v14;
	v53 =	vor.u32 v3, v24  }
0x9f: {  	v37 =	vor.u32 v3, v37;
	v49 =	vld.idx.msk [tilespmem:v25+s13+$0x0], $0xffff;
	v25 =	vshll.u32 v59, $0x4;
	v62 =	vperm.xlane v23, v15  }
0xa0: {  	v25 =	vor.u32 v3, v25;
	v60 =	vshll.u32 v58, $0x4;
	[tilespmem:s26+$0xFFFFFE60] =	vst v47;
	v63 =	vshll.u32 v61, $0x4;
	v47 =	vld.idx.msk [tilespmem:v26+s13+$0x0], $0xffff  }
0xa1: {  	s28 =	simm.s32 $0x4;
	s29 =	simm.s32 $0xA0;
	s24 =	sshll.u32 s23, $0xC;
	[tilespmem:s26+$0xFFFFFF60] =	vst v56;
	v30 =	vshll.u32 v62, $0x4;
	v24 =	vor.u32 v3, v60;
	v48 =	vld.idx.msk [tilespmem:v57+s13+$0x0], $0xffff;
	v26 =	vor.u32 v3, v63  }
.LBB2_3:
0xa2: {  	v54 =	vld [tilespmem:s29+$0x10];
	v30 =	vor.u32 v3, v30;
	v31 =	vshll.u32 v31, $0x4;
	[tilespmem:s26+$0x170] =	vst v51;
	v51 =	vperm.xlane v20, v10  }
0xa3: {  	s28 =	sadd.s32 $0x4, s28;
	v23 =	vperm.xlane v23, v16;
	v31 =	vor.u32 v3, v31;
	[tilespmem:s26+$0x60] =	vst v52;
	v32 =	vshll.u32 v32, $0x4;
	v52 =	vld.idx.msk [tilespmem:v53+s13+$0x0], $0xffff  }
0xa4: {  	v22 =	vperm.xlane v22, v16;
	p0 =	slt.u32 s28, $0x7C;
	v53 =	vld [tilespmem:s29+$0xFFFFFFF0];
	v32 =	vor.u32 v3, v32;
	v51 =	vshll.u32 v51, $0x4;
	[tilespmem:s25+$0xFFFFFEE0] =	vst v49  }
0xa5: {  	v21 =	vperm.xlane v21, v16;
	v23 =	vshll.u32 v23, $0x4;
	v49 =	vld [tilespmem:s29+$0x0];
	v51 =	vor.u32 v3, v51;
	[tilespmem:s25+$0xFFFFFFE0] =	vst v50  }
0xa6: {  	v22 =	vshll.u32 v22, $0x4;
	v23 =	vor.u32 v3, v23;
	v50 =	vld [tilespmem:s29+$0xFFFFFFE0];
	[tilespmem:s25+$0xE0] =	vst v47  }
0xa7: {  	v21 =	vshll.u32 v21, $0x4;
	v22 =	vor.u32 v3, v22;
	[tilespmem:s26+$0xFFFFFE70] =	vst v48;
	v46 =	vld.idx.msk [tilespmem:v46+s13+$0x0], $0xffff  }
0xa8: {  	v21 =	vor.u32 v3, v21;
	v47 =	vadd.s32 $0x1, v54;
	v45 =	vld.idx.msk [tilespmem:v45+s13+$0x0], $0xffff  }
0xa9: {  	vm0 =	vgt.s32 v47, $0x0;
	v48 =	vadd.s32 $0x1, v53;
	v53 =	vld.idx.msk [tilespmem:v43+s13+$0x0], $0xffff;
	[tilespmem:s26+$0x180] =	vst v52;
	v52 =	vperm.xlane v20, v11  }
0xaa: {  	v43 =	vnsel vm0, $0x0, v47;
	vm1 =	vgt.s32 v48, $0x0;
	v49 =	vadd.s32 $0x1, v49;
	v47 =	vld.idx.msk [tilespmem:v51+s13+$0x0], $0xffff  }
0xab: {  	v43 =	vmin.u32 v43, $0x15;
	v50 =	vadd.s32 $0x1, v50;
	v51 =	vshll.u32 v52, $0x4;
	v52 =	vld.idx.msk [tilespmem:v19+s13+$0x0], $0xffff;
	v19 =	vmovc v23  }
0xac: {  	v54 =	vperm.xlane v43, v1;
	vm0 =	vgt.s32 v50, $0x0;
	v51 =	vor.u32 v3, v51;
	v55 =	vld.idx.msk [tilespmem:v17+s13+$0x0], $0xffff;
	v17 =	vmovc v22  }
0xad: {  	v48 =	vnsel vm1, $0x0, v48;
	v22 =	vnsel vm0, $0x0, v50;
	vm0 =	vgt.s32 v49, $0x0;
	[tilespmem:s26+$0xFFFFFF70] =	vst v46;
	v46 =	vld.idx.msk [tilespmem:v18+s13+$0x0], $0xffff;
	v18 =	vmovc v21  }
0xae: {  	v23 =	vmin.u32 v22, $0x15;
	v21 =	vnsel vm0, $0x0, v49;
	v49 =	vshll.u32 v54, $0x4;
	v40 =	vld.idx.msk [tilespmem:v40+s13+$0x0], $0xffff;
	[tilespmem:s26+$0x70] =	vst v45  }
0xaf: {  	v22 =	vmin.u32 v48, $0x15;
	v21 =	vmin.u32 v21, $0x15;
	v45 =	vor.u32 v3, v49;
	[tilespmem:s26+$0xFFFFFE80] =	vst v53;
	v42 =	vld.idx.msk [tilespmem:v42+s13+$0x0], $0xffff  }
0xb0: {  	v48 =	vperm.xlane v23, v1;
	v44 =	vld.idx.msk [tilespmem:v44+s13+$0x0], $0xffff;
	[tilespmem:s26+$0x190] =	vst v47;
	v47 =	vperm.xlane v20, v12  }
0xb1: {  	v49 =	vperm.xlane v22, v1;
	v50 =	vperm.xlane v21, v1;
	v51 =	vld.idx.msk [tilespmem:v51+s13+$0x0], $0xffff;
	[tilespmem:s25+$0xFFFFFEF0] =	vst v52  }
0xb2: {  	v48 =	vshll.u32 v48, $0x4;
	v52 =	vperm.xlane v23, v0;
	v47 =	vshll.u32 v47, $0x4;
	[tilespmem:s25+$0xFFFFFFF0] =	vst v55  }
0xb3: {  	v53 =	vperm.xlane v43, v0;
	v49 =	vshll.u32 v49, $0x4;
	v47 =	vor.u32 v3, v47;
	[tilespmem:s25+$0xF0] =	vst v46;
	s25 =	smov.u32 s26  }
0xb4: {  	v46 =	vor.u32 v3, v48;
	v48 =	vor.u32 v3, v49;
	v49 =	vshll.u32 v50, $0x4;
	v45 =	vld.idx.msk [tilespmem:v45+s13+$0x0], $0xffff;
	[tilespmem:s26+$0xFFFFFF80] =	vst v40  }
0xb5: {  	v50 =	vshll.u32 v53, $0x4;
	v40 =	vperm.xlane v22, v0;
	v49 =	vor.u32 v3, v49;
	v38 =	vld.idx.msk [tilespmem:v38+s13+$0x0], $0xffff;
	[tilespmem:s26+$0x80] =	vst v42  }
0xb6: {  	v50 =	vor.u32 v3, v50;
	v42 =	vshll.u32 v52, $0x4;
	v52 =	vperm.xlane v21, v0;
	[tilespmem:s26+$0xFFFFFE90] =	vst v44;
	v39 =	vld.idx.msk [tilespmem:v39+s13+$0x0], $0xffff  }
0xb7: {  	v42 =	vor.u32 v3, v42;
	v40 =	vshll.u32 v40, $0x4;
	v44 =	vperm.xlane v20, v13;
	v41 =	vld.idx.msk [tilespmem:v41+s13+$0x0], $0xffff;
	[tilespmem:s26+$0x1A0] =	vst v51  }
0xb8: {  	v51 =	vperm.xlane v23, v4;
	v40 =	vor.u32 v3, v40;
	v52 =	vshll.u32 v52, $0x4;
	v47 =	vld.idx.msk [tilespmem:v47+s13+$0x0], $0xffff  }
0xb9: {  	v53 =	vperm.xlane v22, v4;
	s26 =	sadd.s32 $0x400, s26;
	v52 =	vor.u32 v3, v52;
	v44 =	vshll.u32 v44, $0x4;
	v46 =	vld.idx.msk [tilespmem:v46+s13+$0x0], $0xffff  }
0xba: {  	v51 =	vshll.u32 v51, $0x4;
	v44 =	vor.u32 v3, v44;
	v48 =	vld.idx.msk [tilespmem:v48+s13+$0x0], $0xffff;
	[tilespmem:s26+$0x100] =	vst v45;
	v45 =	vperm.xlane v43, v4  }
0xbb: {  	v54 =	vperm.xlane v21, v4;
	v53 =	vshll.u32 v53, $0x4;
	v51 =	vor.u32 v3, v51;
	v50 =	vld.idx.msk [tilespmem:v50+s13+$0x0], $0xffff;
	[tilespmem:s25+$0xFFFFFF90] =	vst v38  }
0xbc: {  	v53 =	vor.u32 v3, v53;
	v38 =	vperm.xlane v23, v5;
	v49 =	vld.idx.msk [tilespmem:v49+s13+$0x0], $0xffff;
	v45 =	vshll.u32 v45, $0x4;
	[tilespmem:s25+$0x90] =	vst v39  }
0xbd: {  	v54 =	vshll.u32 v54, $0x4;
	v39 =	vperm.xlane v22, v5;
	v45 =	vor.u32 v3, v45;
	[tilespmem:s25+$0xFFFFFEA0] =	vst v41;
	v37 =	vld.idx.msk [tilespmem:v37+s13+$0x0], $0xffff  }
0xbe: {  	v41 =	vor.u32 v3, v54;
	v54 =	vperm.xlane v21, v5;
	[tilespmem:s25+$0x1B0] =	vst v47;
	v47 =	vperm.xlane v20, v14  }
0xbf: {  	v38 =	vshll.u32 v38, $0x4;
	v39 =	vshll.u32 v39, $0x4;
	[tilespmem:s26+$0xFFFFFE00] =	vst v46;
	v46 =	vperm.xlane v23, v2;
	v44 =	vld.idx.msk [tilespmem:v44+s13+$0x0], $0xffff  }
0xc0: {  	v38 =	vor.u32 v3, v38;
	v42 =	vld.idx.msk [tilespmem:v42+s13+$0x0], $0xffff;
	[tilespmem:s26+$0xFFFFFF00] =	vst v48;
	v48 =	vshll.u32 v54, $0x4;
	v47 =	vshll.u32 v47, $0x4  }
0xc1: {  	v46 =	vshll.u32 v46, $0x4;
	v40 =	vld.idx.msk [tilespmem:v40+s13+$0x0], $0xffff;
	[tilespmem:s26+$0x110] =	vst v50;
	v50 =	vperm.xlane v43, v5;
	v47 =	vor.u32 v3, v47  }
0xc2: {  	v39 =	vor.u32 v3, v39;
	v48 =	vor.u32 v3, v48;
	[tilespmem:s26+$0x0] =	vst v49;
	v45 =	vld.idx.msk [tilespmem:v45+s13+$0x0], $0xffff  }
0xc3: {  	v54 =	vperm.xlane v21, v2;
	v49 =	vperm.xlane v22, v2;
	v52 =	vld.idx.msk [tilespmem:v52+s13+$0x0], $0xffff;
	v50 =	vshll.u32 v50, $0x4;
	[tilespmem:s25+$0xFFFFFFA0] =	vst v37  }
0xc4: {  	v37 =	vor.u32 v3, v46;
	v46 =	vperm.xlane v23, v6;
	v50 =	vor.u32 v3, v50;
	v35 =	vld.idx.msk [tilespmem:v35+s13+$0x0], $0xffff  }
0xc5: {  	v54 =	vshll.u32 v54, $0x4;
	v49 =	vshll.u32 v49, $0x4;
	v36 =	vld.idx.msk [tilespmem:v36+s13+$0x0], $0xffff;
	[tilespmem:s25+$0x1C0] =	vst v44;
	v44 =	vperm.xlane v20, v15  }
0xc6: {  	v54 =	vor.u32 v3, v54;
	v49 =	vor.u32 v3, v49;
	[tilespmem:s26+$0xFFFFFE10] =	vst v42;
	v42 =	vshll.u32 v46, $0x4;
	v46 =	vld.idx.msk [tilespmem:v47+s13+$0x0], $0xffff  }
0xc7: {  	v47 =	vld.idx.msk [tilespmem:v51+s13+$0x0], $0xffff;
	[tilespmem:s26+$0xFFFFFF10] =	vst v40;
	v40 =	vperm.xlane v22, v6;
	v51 =	vperm.xlane v21, v6;
	v44 =	vshll.u32 v44, $0x4  }
0xc8: {  	v53 =	vld.idx.msk [tilespmem:v53+s13+$0x0], $0xffff;
	[tilespmem:s26+$0x120] =	vst v45;
	v45 =	vperm.xlane v43, v2;
	v44 =	vor.u32 v3, v44  }
0xc9: {  	v55 =	vor.u32 v3, v42;
	v40 =	vshll.u32 v40, $0x4;
	[tilespmem:s26+$0x10] =	vst v52;
	v42 =	vshll.u32 v51, $0x4;
	v50 =	vld.idx.msk [tilespmem:v50+s13+$0x0], $0xffff  }
0xca: {  	v51 =	vor.u32 v3, v40;
	v40 =	vld.idx.msk [tilespmem:v41+s13+$0x0], $0xffff;
	v52 =	vor.u32 v3, v42;
	v41 =	vshll.u32 v45, $0x4;
	[tilespmem:s25+$0xA0] =	vst v35  }
0xcb: {  	v35 =	vperm.xlane v23, v7;
	v42 =	vperm.xlane v22, v7;
	v41 =	vor.u32 v3, v41;
	v33 =	vld.idx.msk [tilespmem:v33+s13+$0x0], $0xffff  }
0xcc: {  	v45 =	vperm.xlane v21, v7;
	v34 =	vld.idx.msk [tilespmem:v34+s13+$0x0], $0xffff;
	[tilespmem:s25+$0x1D0] =	vst v46;
	v46 =	vperm.xlane v20, v16;
	v20 =	vmov v43  }
0xcd: {  	v35 =	vshll.u32 v35, $0x4;
	v43 =	vperm.xlane v23, v8;
	v42 =	vshll.u32 v42, $0x4;
	[tilespmem:s26+$0xFFFFFE20] =	vst v47;
	v44 =	vld.idx.msk [tilespmem:v44+s13+$0x0], $0xffff  }
0xce: {  	v47 =	vor.u32 v3, v35;
	v35 =	vshll.u32 v45, $0x4;
	v38 =	vld.idx.msk [tilespmem:v38+s13+$0x0], $0xffff;
	[tilespmem:s26+$0xFFFFFF20] =	vst v53;
	v45 =	vshll.u32 v46, $0x4  }
0xcf: {  	v43 =	vshll.u32 v43, $0x4;
	v46 =	vperm.xlane v20, v6;
	v39 =	vld.idx.msk [tilespmem:v39+s13+$0x0], $0xffff;
	[tilespmem:s26+$0x130] =	vst v50;
	v50 =	vor.u32 v3, v45  }
0xd0: {  	v53 =	vor.u32 v3, v42;
	v56 =	vor.u32 v3, v35;
	[tilespmem:s26+$0x20] =	vst v40;
	v35 =	vld.idx.msk [tilespmem:v41+s13+$0x0], $0xffff  }
0xd1: {  	v42 =	vperm.xlane v21, v8;
	v40 =	vperm.xlane v22, v8;
	v45 =	vshll.u32 v46, $0x4;
	v41 =	vld.idx.msk [tilespmem:v48+s13+$0x0], $0xffff;
	[tilespmem:s25+$0xFFFFFEB0] =	vst v36  }
0xd2: {  	v48 =	vor.u32 v3, v43;
	v36 =	vperm.xlane v23, v9;
	v57 =	vor.u32 v3, v45;
	[tilespmem:s25+$0xFFFFFFB0] =	vst v33  }
0xd3: {  	v42 =	vshll.u32 v42, $0x4;
	v33 =	vshll.u32 v40, $0x4;
	v40 =	vperm.xlane v22, v9;
	v29 =	vld.idx.msk [tilespmem:v29+s13+$0x0], $0xffff;
	[tilespmem:s25+$0x1E0] =	vst v44  }
0xd4: {  	v45 =	vor.u32 v3, v42;
	v36 =	vshll.u32 v36, $0x4;
	v46 =	vor.u32 v3, v33;
	[tilespmem:s26+$0xFFFFFE30] =	vst v38;
	v33 =	vld.idx.msk [tilespmem:v50+s13+$0x0], $0xffff  }
0xd5: {  	v43 =	vor.u32 v3, v36;
	v36 =	vshll.u32 v40, $0x4;
	v38 =	vperm.xlane v21, v9;
	v37 =	vld.idx.msk [tilespmem:v37+s13+$0x0], $0xffff;
	[tilespmem:s26+$0xFFFFFF30] =	vst v39  }
0xd6: {  	v40 =	vor.u32 v3, v36;
	v49 =	vld.idx.msk [tilespmem:v49+s13+$0x0], $0xffff;
	[tilespmem:s26+$0x140] =	vst v35;
	v35 =	vperm.xlane v20, v7  }
0xd7: {  	v36 =	vperm.xlane v23, v10;
	v39 =	vperm.xlane v22, v10;
	v38 =	vshll.u32 v38, $0x4;
	[tilespmem:s26+$0x30] =	vst v41;
	v41 =	vld.idx.msk [tilespmem:v57+s13+$0x0], $0xffff  }
0xd8: {  	v42 =	vor.u32 v3, v38;
	v50 =	vld.idx.msk [tilespmem:v54+s13+$0x0], $0xffff;
	v54 =	vperm.xlane v21, v10;
	v35 =	vshll.u32 v35, $0x4;
	[tilespmem:s25+$0xB0] =	vst v34  }
0xd9: {  	v34 =	vshll.u32 v36, $0x4;
	v36 =	vshll.u32 v39, $0x4;
	v35 =	vor.u32 v3, v35;
	[tilespmem:s25+$0xFFFFFEC0] =	vst v29;
	v27 =	vld.idx.msk [tilespmem:v27+s13+$0x0], $0xffff  }
0xda: {  	v44 =	vor.u32 v3, v34;
	v38 =	vor.u32 v3, v36;
	v29 =	vshll.u32 v54, $0x4;
	v28 =	vld.idx.msk [tilespmem:v28+s13+$0x0], $0xffff;
	[tilespmem:s25+$0x1F0] =	vst v33  }
0xdb: {  	v34 =	vperm.xlane v22, v11;
	v33 =	vperm.xlane v23, v11;
	[tilespmem:s26+$0xFFFFFE40] =	vst v37;
	v39 =	vor.u32 v3, v29  }
0xdc: {  	v36 =	vperm.xlane v23, v12;
	v29 =	vld.idx.msk [tilespmem:v55+s13+$0x0], $0xffff;
	[tilespmem:s26+$0xFFFFFF40] =	vst v49;
	v49 =	vperm.xlane v21, v11  }
0xdd: {  	v54 =	vperm.xlane v20, v8;
	v34 =	vshll.u32 v34, $0x4;
	v33 =	vshll.u32 v33, $0x4;
	v51 =	vld.idx.msk [tilespmem:v51+s13+$0x0], $0xffff;
	[tilespmem:s26+$0x150] =	vst v41  }
0xde: {  	v37 =	vor.u32 v3, v34;
	v41 =	vor.u32 v3, v33;
	[tilespmem:s26+$0x40] =	vst v50;
	v33 =	vshll.u32 v49, $0x4;
	v49 =	vld.idx.msk [tilespmem:v35+s13+$0x0], $0xffff  }
0xdf: {  	v34 =	vperm.xlane v22, v12;
	v50 =	vld.idx.msk [tilespmem:v52+s13+$0x0], $0xffff;
	v35 =	vor.u32 v3, v33;
	v33 =	vshll.u32 v54, $0x4;
	[tilespmem:s25+$0xFFFFFFC0] =	vst v27  }
0xe0: {  	v27 =	vshll.u32 v36, $0x4;
	v52 =	vperm.xlane v21, v12;
	v54 =	vor.u32 v3, v33;
	v24 =	vld.idx.msk [tilespmem:v24+s13+$0x0], $0xffff;
	[tilespmem:s25+$0xC0] =	vst v28  }
0xe1: {  	v36 =	vor.u32 v3, v27;
	v27 =	vperm.xlane v23, v13;
	v28 =	vshll.u32 v34, $0x4;
	v25 =	vld.idx.msk [tilespmem:v25+s13+$0x0], $0xffff  }
0xe2: {  	v33 =	vor.u32 v3, v28;
	v28 =	vperm.xlane v22, v13;
	[tilespmem:s26+$0xFFFFFE50] =	vst v29;
	v29 =	vshll.u32 v52, $0x4;
	v26 =	vld.idx.msk [tilespmem:v26+s13+$0x0], $0xffff  }
0xe3: {  	v27 =	vshll.u32 v27, $0x4;
	v47 =	vld.idx.msk [tilespmem:v47+s13+$0x0], $0xffff;
	[tilespmem:s26+$0xFFFFFF50] =	vst v51;
	v34 =	vor.u32 v3, v29;
	v51 =	vperm.xlane v21, v13  }
0xe4: {  	v29 =	vor.u32 v3, v27;
	v27 =	vshll.u32 v28, $0x4;
	v55 =	vld.idx.msk [tilespmem:v53+s13+$0x0], $0xffff;
	[tilespmem:s26+$0x160] =	vst v49;
	v49 =	vperm.xlane v20, v9  }
0xe5: {  	v53 =	vperm.xlane v23, v14;
	v27 =	vor.u32 v3, v27;
	[tilespmem:s26+$0x50] =	vst v50;
	v28 =	vshll.u32 v51, $0x4;
	v51 =	vld.idx.msk [tilespmem:v54+s13+$0x0], $0xffff  }
.Ltmp0:
0xe6: {  	v50 =	vperm.xlane v22, v14;
	v52 =	vld.idx.msk [tilespmem:v56+s13+$0x0], $0xffff;
	v28 =	vor.u32 v3, v28;
	v49 =	vshll.u32 v49, $0x4;
	[tilespmem:s25+$0xFFFFFED0] =	vst v24;
	(pc) =	sbr.rel @p0 .LBB2_3-.Ltmp0, $4  }
0xe7: {  	v54 =	vperm.xlane v21, v14;
	v24 =	vshll.u32 v53, $0x4;
	v53 =	vor.u32 v3, v49;
	v49 =	vld.idx.msk [tilespmem:v30+s13+$0x0], $0xffff;
	[tilespmem:s25+$0xFFFFFFD0] =	vst v25  }
0xe8: {  	v24 =	vor.u32 v3, v24;
	v30 =	vperm.xlane v23, v15;
	v25 =	vshll.u32 v50, $0x4;
	v50 =	vld.idx.msk [tilespmem:v31+s13+$0x0], $0xffff;
	[tilespmem:s25+$0xD0] =	vst v26  }
0xe9: {  	v25 =	vor.u32 v3, v25;
	v31 =	vperm.xlane v22, v15;
	v26 =	vshll.u32 v54, $0x4;
	[tilespmem:s26+$0xFFFFFE60] =	vst v47;
	v47 =	vld.idx.msk [tilespmem:v32+s13+$0x0], $0xffff  }
0xea: {  	s29 =	sadd.s32 $0x40, s29;
	v30 =	vshll.u32 v30, $0x4;
	v26 =	vor.u32 v3, v26;
	v32 =	vperm.xlane v21, v15;
	v48 =	vld.idx.msk [tilespmem:v48+s13+$0x0], $0xffff;
	[tilespmem:s26+$0xFFFFFF60] =	vst v55  }
0xeb: {  	_ =	sdelay $0x3  }
0xec: {  	[tilespmem:s26+$0x60] =	vst v52;
	v46 =	vld.idx.msk [tilespmem:v46+s13+$0x0], $0xffff  }
0xed: {  	v45 =	vld.idx.msk [tilespmem:v45+s13+$0x0], $0xffff  }
0xee: {  	v63 =	vperm.xlane v20, v10  }
0xef: {  	[tilespmem:s26+$0x170] =	vst v51  }
0xf0: {  	v51 =	vld.idx.msk [tilespmem:v53+s13+$0x0], $0xffff;
	v52 =	vshll.u32 v63, $0x4;
	[tilespmem:s26+$0xFFFFFE70] =	vst v48  }
0xf1: {  	v55 =	vor.u32 v3, v52;
	v43 =	vld.idx.msk [tilespmem:v43+s13+$0x0], $0xffff;
	[tilespmem:s26+$0xFFFFFF70] =	vst v46  }
0xf2: {  	v40 =	vld.idx.msk [tilespmem:v40+s13+$0x0], $0xffff;
	[tilespmem:s26+$0x70] =	vst v45  }
0xf3: {  	v42 =	vld.idx.msk [tilespmem:v42+s13+$0x0], $0xffff  }
0xf4: {  	v56 =	vperm.xlane v20, v11  }
0xf5: {  	[tilespmem:s26+$0x180] =	vst v51  }
0xf6: {  	v45 =	vshll.u32 v56, $0x4;
	v57 =	vld.idx.msk [tilespmem:v55+s13+$0x0], $0xffff;
	[tilespmem:s26+$0xFFFFFE80] =	vst v43  }
0xf7: {  	v58 =	vor.u32 v3, v45;
	v44 =	vld.idx.msk [tilespmem:v44+s13+$0x0], $0xffff;
	[tilespmem:s26+$0xFFFFFF80] =	vst v40  }
0xf8: {  	v38 =	vld.idx.msk [tilespmem:v38+s13+$0x0], $0xffff;
	[tilespmem:s26+$0x80] =	vst v42  }
0xf9: {  	v39 =	vld.idx.msk [tilespmem:v39+s13+$0x0], $0xffff  }
0xfa: {  	v59 =	vperm.xlane v20, v12  }
0xfb: {  	[tilespmem:s26+$0x190] =	vst v57  }
0xfc: {  	v40 =	vshll.u32 v59, $0x4;
	v60 =	vld.idx.msk [tilespmem:v58+s13+$0x0], $0xffff;
	[tilespmem:s26+$0xFFFFFE90] =	vst v44  }
0xfd: {  	v40 =	vor.u32 v3, v40;
	v41 =	vld.idx.msk [tilespmem:v41+s13+$0x0], $0xffff;
	[tilespmem:s26+$0xFFFFFF90] =	vst v38  }
0xfe: {  	[tilespmem:s26+$0x90] =	vst v39;
	v37 =	vld.idx.msk [tilespmem:v37+s13+$0x0], $0xffff  }
0xff: {  	v35 =	vld.idx.msk [tilespmem:v35+s13+$0x0], $0xffff  }
0x100: {  	v61 =	vperm.xlane v20, v13  }
0x101: {  	[tilespmem:s26+$0x1A0] =	vst v60  }
0x102: {  	v38 =	vshll.u32 v61, $0x4;
	v62 =	vld.idx.msk [tilespmem:v40+s13+$0x0], $0xffff;
	[tilespmem:s26+$0xFFFFFEA0] =	vst v41  }
0x103: {  	v38 =	vor.u32 v3, v38;
	[tilespmem:s26+$0xFFFFFFA0] =	vst v37;
	v36 =	vld.idx.msk [tilespmem:v36+s13+$0x0], $0xffff  }
0x104: {  	[tilespmem:s26+$0xA0] =	vst v35;
	v33 =	vld.idx.msk [tilespmem:v33+s13+$0x0], $0xffff  }
0x105: {  	v34 =	vld.idx.msk [tilespmem:v34+s13+$0x0], $0xffff  }
0x106: {  	v63 =	vperm.xlane v20, v14  }
0x107: {  	[tilespmem:s26+$0x1B0] =	vst v62  }
0x108: {  	v35 =	vshll.u32 v63, $0x4;
	v40 =	vld.idx.msk [tilespmem:v38+s13+$0x0], $0xffff;
	[tilespmem:s26+$0xFFFFFEB0] =	vst v36  }
0x109: {  	v35 =	vor.u32 v3, v35;
	[tilespmem:s26+$0xFFFFFFB0] =	vst v33;
	v29 =	vld.idx.msk [tilespmem:v29+s13+$0x0], $0xffff  }
0x10a: {  	[tilespmem:s26+$0xB0] =	vst v34;
	v27 =	vld.idx.msk [tilespmem:v27+s13+$0x0], $0xffff  }
0x10b: {  	v28 =	vld.idx.msk [tilespmem:v28+s13+$0x0], $0xffff  }
0x10c: {  	v41 =	vperm.xlane v20, v15  }
0x10d: {  	[tilespmem:s26+$0x1C0] =	vst v40  }
0x10e: {  	v33 =	vshll.u32 v41, $0x4;
	v42 =	vld.idx.msk [tilespmem:v35+s13+$0x0], $0xffff;
	[tilespmem:s26+$0xFFFFFEC0] =	vst v29  }
0x10f: {  	v29 =	vor.u32 v3, v33;
	[tilespmem:s26+$0xFFFFFFC0] =	vst v27;
	v24 =	vld.idx.msk [tilespmem:v24+s13+$0x0], $0xffff  }
0x110: {  	v27 =	vor.u32 v3, v30;
	v30 =	vshll.u32 v31, $0x4;
	[tilespmem:s26+$0xC0] =	vst v28;
	v25 =	vld.idx.msk [tilespmem:v25+s13+$0x0], $0xffff  }
0x111: {  	[tilespmem:s25+$0xFFFFFEE0] =	vst v49;
	v28 =	vor.u32 v3, v30;
	v30 =	vshll.u32 v32, $0x4;
	v26 =	vld.idx.msk [tilespmem:v26+s13+$0x0], $0xffff  }
0x112: {  	[tilespmem:s25+$0xFFFFFFE0] =	vst v50;
	v20 =	vperm.xlane v20, v16;
	v30 =	vor.u32 v3, v30  }
0x113: {  	v23 =	vperm.xlane v23, v16;
	v19 =	vld.idx.msk [tilespmem:v19+s13+$0x0], $0xffff;
	[tilespmem:s26+$0x1D0] =	vst v42  }
0x114: {  	v22 =	vperm.xlane v22, v16;
	v20 =	vshll.u32 v20, $0x4;
	v29 =	vld.idx.msk [tilespmem:v29+s13+$0x0], $0xffff;
	[tilespmem:s26+$0xFFFFFED0] =	vst v24  }
0x115: {  	v21 =	vperm.xlane v21, v16;
	v23 =	vshll.u32 v23, $0x4;
	v20 =	vor.u32 v3, v20;
	v24 =	vld.idx.msk [tilespmem:v27+s13+$0x0], $0xffff;
	[tilespmem:s26+$0xFFFFFFD0] =	vst v25  }
0x116: {  	v22 =	vshll.u32 v22, $0x4;
	v23 =	vor.u32 v3, v23;
	v25 =	vld.idx.msk [tilespmem:v28+s13+$0x0], $0xffff;
	[tilespmem:s26+$0xD0] =	vst v26  }
0x117: {  	v21 =	vshll.u32 v21, $0x4;
	[tilespmem:s25+$0xE0] =	vst v47;
	v22 =	vor.u32 v3, v22;
	v26 =	vld.idx.msk [tilespmem:v30+s13+$0x0], $0xffff  }
0x118: {  	v21 =	vor.u32 v3, v21;
	v17 =	vld.idx.msk [tilespmem:v17+s13+$0x0], $0xffff;
	[tilespmem:s25+$0xFFFFFEF0] =	vst v19  }
0x119: {  	v18 =	vld.idx.msk [tilespmem:v18+s13+$0x0], $0xffff;
	[tilespmem:s26+$0x1E0] =	vst v29  }
0x11a: {  	v19 =	vld.idx.msk [tilespmem:v20+s13+$0x0], $0xffff;
	[tilespmem:s26+$0xFFFFFEE0] =	vst v24  }
0x11b: {  	[tilespmem:s26+$0xFFFFFFE0] =	vst v25;
	v20 =	vld.idx.msk [tilespmem:v23+s13+$0x0], $0xffff  }
0x11c: {  	[tilespmem:s26+$0xE0] =	vst v26;
	v22 =	vld.idx.msk [tilespmem:v22+s13+$0x0], $0xffff  }
0x11d: {  	[tilespmem:s25+$0xFFFFFFF0] =	vst v17;
	v17 =	vld.idx.msk [tilespmem:v21+s13+$0x0], $0xffff  }
0x11e: {  	[tilespmem:s25+$0xF0] =	vst v18  }
0x11f: {  	p0 =	seq.s32 s23, $0x1F;
	[tilespmem:s26+$0x1F0] =	vst v19  }
0x120: {  	s25 =	sadd.s32 @!p0 s24, s9;
	[tilespmem:s26+$0xFFFFFEF0] =	vst v20  }
0x121: {  	s25 =	sshrl.u32 @!p0 s25, $0x3;
	[tilespmem:s26+$0xFFFFFFF0] =	vst v22  }
0x122: {  	s31 =	sshll.u32 s23, $0xD;
	s25 =	sadd.s32 @!p0 s4, s25;
	[tilespmem:s26+$0xF0] =	vst v17;
	s26 =	simm.s32 @!p0 $0x0  }
0x123: {  	[tilespmem:s26], [sflag:$0x1] =	stream.linear.gather @!p0 [hbm4b:s25+s26], $0x800, $0x38;
	[tilespmem:$0x11160] =	vst v63  }
0x124: {  	s25 =	sadd.s32 s31, s10  }
0x125: {  	[hbm4b:s25+s3] =	stream.linear.scatter [tilespmem:s17], [sflag:$0x3], $0x8000, $0x38;
	[tilespmem:$0x11160] =	vst v63  }
0x126: {  	_ =	swait.ge [sflag:s18], $0x800  }
0x127: {  	[sflag:s18] =	ssyncset.done $0x0  }
0x128: {  	s25 =	simm.s32 @!p1 $0x4;
	[sflag:s18] =	ssyncadd.s32 $0xFFFFF800  }
0x129: {  	_ =	swait.ge @!p1 [sflag:s25], $0x8000  }
0x12a: {  	[sflag:s25] =	ssyncset.done @!p1 $0x0  }
0x12b: {  	s26 =	simm.s32 $0x830;
	[sflag:s25] =	ssyncadd.s32 @!p1 $0xFFFF8000  }
0x12c: {  	v17 =	vld [tilespmem:s26+$0x0]  }
0x12d: {  	v19 =	vld [tilespmem:s26+$0xFFFFFFD0]  }
0x12e: {  	v18 =	vld [tilespmem:s26+$0xFFFFFFE0];
	_ =	sdelay $0x1  }
0x12f: {  	v20 =	vld [tilespmem:s26+$0xFFFFFFF0];
	_ =	sdelay $0x1  }
0x130: {  	v17 =	vadd.s32 $0x1, v17;
	v19 =	vadd.s32 $0x1, v19  }
0x131: {  	v18 =	vadd.s32 $0x1, v18;
	vm0 =	vgt.s32 v17, $0x0;
	vm1 =	vgt.s32 v19, $0x0  }
0x132: {  	vm10 =	vgt.s32 v18, $0x0;
	v17 =	vnsel vm0, $0x0, v17;
	v19 =	vnsel vm1, $0x0, v19  }
0x133: {  	v18 =	vnsel vm10, $0x0, v18;
	v24 =	vmin.u32 v17, $0x15;
	v17 =	vadd.s32 $0x1, v20  }
0x134: {  	v19 =	vmin.u32 v19, $0x15;
	v18 =	vmin.u32 v18, $0x15;
	v20 =	vperm.xlane v24, v1  }
0x135: {  	v21 =	vperm.xlane v19, v1;
	v22 =	vperm.xlane v18, v1  }
0x136: {  	vm11 =	vgt.s32 v17, $0x0;
	v25 =	vperm.xlane v19, v0;
	v26 =	vperm.xlane v24, v0  }
0x137: {  	v27 =	vperm.xlane v18, v0;
	v29 =	vperm.xlane v19, v4;
	v20 =	vshll.u32 v20, $0x4  }
0x138: {  	v17 =	vnsel vm11, $0x0, v17;
	v21 =	vshll.u32 v21, $0x4;
	v20 =	vor.u32 v3, v20  }
0x139: {  	v17 =	vmin.u32 v17, $0x15;
	v22 =	vshll.u32 v22, $0x4;
	v21 =	vor.u32 v3, v21  }
0x13a: {  	v30 =	vperm.xlane v18, v4;
	v23 =	vperm.xlane v17, v1;
	v22 =	vor.u32 v3, v22  }
0x13b: {  	v31 =	vperm.xlane v24, v4;
	v44 =	vperm.xlane v19, v5  }
0x13c: {  	v46 =	vperm.xlane v19, v2;
	v47 =	vperm.xlane v24, v5;
	v23 =	vshll.u32 v23, $0x4  }
0x13d: {  	v49 =	vperm.xlane v18, v2;
	v26 =	vshll.u32 v26, $0x4;
	v23 =	vor.u32 v3, v23;
	v20 =	vld.idx.msk [tilespmem:v20+s13+$0x0], $0xffff  }
0x13e: {  	v52 =	vperm.xlane v18, v6;
	v25 =	vshll.u32 v25, $0x4;
	v26 =	vor.u32 v3, v26;
	v21 =	vld.idx.msk [tilespmem:v21+s13+$0x0], $0xffff  }
0x13f: {  	v53 =	vperm.xlane v24, v2;
	v27 =	vshll.u32 v27, $0x4;
	v25 =	vor.u32 v3, v25;
	v22 =	vld.idx.msk [tilespmem:v22+s13+$0x0], $0xffff  }
0x140: {  	v55 =	vperm.xlane v19, v7;
	v28 =	vperm.xlane v17, v0;
	v27 =	vor.u32 v3, v27  }
0x141: {  	s25 =	simm.s32 $0x93F0;
	v56 =	vperm.xlane v18, v7;
	v59 =	vperm.xlane v19, v8  }
0x142: {  	v61 =	vperm.xlane v24, v6;
	v29 =	vshll.u32 v29, $0x4;
	v28 =	vshll.u32 v28, $0x4;
	v23 =	vld.idx.msk [tilespmem:v23+s13+$0x0], $0xffff;
	[tilespmem:s25+$0xFFFFFF10] =	vst v20  }
0x143: {  	v30 =	vshll.u32 v30, $0x4;
	v28 =	vor.u32 v3, v28;
	v20 =	vshll.u32 v31, $0x4;
	[tilespmem:s25+$0xFFFFFC10] =	vst v21;
	v26 =	vld.idx.msk [tilespmem:v26+s13+$0x0], $0xffff  }
0x144: {  	v35 =	vshll.u32 v47, $0x4;
	v36 =	vshll.u32 v52, $0x4;
	[tilespmem:s25+$0xFFFFFD10] =	vst v22;
	v20 =	vor.u32 v3, v20;
	v25 =	vld.idx.msk [tilespmem:v25+s13+$0x0], $0xffff  }
0x145: {  	v54 =	vshll.u32 v53, $0x4;
	v38 =	vshll.u32 v56, $0x4;
	v29 =	vor.u32 v3, v29;
	v27 =	vld.idx.msk [tilespmem:v27+s13+$0x0], $0xffff  }
0x146: {  	v56 =	vperm.xlane v19, v10;
	v43 =	vperm.xlane v17, v4;
	v30 =	vor.u32 v3, v30  }
0x147: {  	v58 =	vshll.u32 v55, $0x4;
	v45 =	vperm.xlane v17, v5;
	v50 =	vperm.xlane v17, v2;
	[tilespmem:s25+$0xFFFFFE10] =	vst v23  }
0x148: {  	v35 =	vor.u32 v3, v35;
	v57 =	vperm.xlane v17, v7;
	v32 =	vshll.u32 v43, $0x4;
	v28 =	vld.idx.msk [tilespmem:v28+s13+$0x0], $0xffff;
	[tilespmem:s25+$0xFFFFFF20] =	vst v26  }
0x149: {  	v37 =	vshll.u32 v59, $0x4;
	v32 =	vor.u32 v3, v32;
	v31 =	vperm.xlane v18, v5;
	[tilespmem:s25+$0xFFFFFC20] =	vst v25;
	v20 =	vld.idx.msk [tilespmem:v20+s13+$0x0], $0xffff  }
0x14a: {  	v62 =	vor.u32 v3, v38;
	v52 =	vperm.xlane v17, v8;
	v21 =	vshll.u32 v44, $0x4;
	[tilespmem:s25+$0xFFFFFD20] =	vst v27;
	v29 =	vld.idx.msk [tilespmem:v29+s13+$0x0], $0xffff  }
0x14b: {  	v21 =	vor.u32 v3, v21;
	v31 =	vshll.u32 v31, $0x4;
	v26 =	vperm.xlane v19, v6;
	v30 =	vld.idx.msk [tilespmem:v30+s13+$0x0], $0xffff  }
0x14c: {  	v53 =	vor.u32 v3, v37;
	v34 =	vshll.u32 v45, $0x4;
	v31 =	vor.u32 v3, v31  }
0x14d: {  	v51 =	vshll.u32 v50, $0x4;
	v25 =	vshll.u32 v26, $0x4;
	v26 =	vperm.xlane v17, v6;
	[tilespmem:s25+$0xFFFFFE20] =	vst v28  }
0x14e: {  	v60 =	vshll.u32 v57, $0x4;
	v57 =	vperm.xlane v19, v11;
	v48 =	vor.u32 v3, v34;
	v32 =	vld.idx.msk [tilespmem:v32+s13+$0x0], $0xffff;
	[tilespmem:s25+$0xFFFFFF30] =	vst v20  }
0x14f: {  	v34 =	vor.u32 v3, v51;
	v22 =	vshll.u32 v46, $0x4;
	v26 =	vshll.u32 v26, $0x4;
	[tilespmem:s25+$0xFFFFFC30] =	vst v29;
	v28 =	vld.idx.msk [tilespmem:v35+s13+$0x0], $0xffff  }
0x150: {  	v23 =	vshll.u32 v49, $0x4;
	v20 =	vor.u32 v3, v26;
	v26 =	vor.u32 v3, v54;
	[tilespmem:s25+$0xFFFFFD30] =	vst v30;
	v21 =	vld.idx.msk [tilespmem:v21+s13+$0x0], $0xffff  }
0x151: {  	v63 =	vor.u32 v3, v60;
	v22 =	vor.u32 v3, v22;
	v23 =	vor.u32 v3, v23;
	v31 =	vld.idx.msk [tilespmem:v31+s13+$0x0], $0xffff  }
0x152: {  	v27 =	vor.u32 v3, v36;
	v36 =	vshll.u32 v61, $0x4;
	v54 =	vperm.xlane v19, v9  }
0x153: {  	v36 =	vor.u32 v3, v36;
	v29 =	vor.u32 v3, v58;
	v58 =	vperm.xlane v18, v11;
	[tilespmem:s25+$0xFFFFFE30] =	vst v32  }
0x154: {  	v25 =	vor.u32 v3, v25;
	v30 =	vperm.xlane v18, v8;
	v55 =	vshll.u32 v54, $0x4;
	v33 =	vld.idx.msk [tilespmem:v48+s13+$0x0], $0xffff;
	[tilespmem:s25+$0xFFFFFF40] =	vst v28  }
0x155: {  	v35 =	vshll.u32 v52, $0x4;
	v59 =	vshll.u32 v58, $0x4;
	v49 =	vor.u32 v3, v55;
	[tilespmem:s25+$0xFFFFFC40] =	vst v21;
	v26 =	vld.idx.msk [tilespmem:v26+s13+$0x0], $0xffff  }
0x156: {  	v32 =	vshll.u32 v56, $0x4;
	v28 =	vshll.u32 v30, $0x4;
	v30 =	vperm.xlane v18, v9;
	[tilespmem:s25+$0xFFFFFD40] =	vst v31;
	v22 =	vld.idx.msk [tilespmem:v22+s13+$0x0], $0xffff  }
0x157: {  	v38 =	vor.u32 v3, v59;
	v47 =	vor.u32 v3, v28;
	v28 =	vperm.xlane v17, v9;
	v23 =	vld.idx.msk [tilespmem:v23+s13+$0x0], $0xffff  }
0x158: {  	v48 =	vor.u32 v3, v35;
	v21 =	vshll.u32 v30, $0x4;
	v30 =	vperm.xlane v24, v7  }
0x159: {  	v43 =	vor.u32 v3, v32;
	v31 =	vperm.xlane v18, v10;
	v28 =	vshll.u32 v28, $0x4;
	[tilespmem:s25+$0xFFFFFE40] =	vst v33  }
0x15a: {  	v42 =	vor.u32 v3, v28;
	v28 =	vperm.xlane v17, v10;
	v30 =	vshll.u32 v30, $0x4;
	[tilespmem:s25+$0xFFFFFF50] =	vst v26  }
0x15b: {  	v21 =	vor.u32 v3, v21;
	v30 =	vor.u32 v3, v30;
	v26 =	vshll.u32 v31, $0x4;
	[tilespmem:s25+$0xFFFFFC50] =	vst v22  }
0x15c: {  	v34 =	vld.idx.msk [tilespmem:v34+s13+$0x0], $0xffff;
	v28 =	vshll.u32 v28, $0x4;
	v22 =	vperm.xlane v19, v12;
	[tilespmem:s25+$0xFFFFFD50] =	vst v23;
	v23 =	vperm.xlane v24, v8  }
0x15d: {  	v31 =	vld.idx.msk [tilespmem:v36+s13+$0x0], $0xffff;
	v40 =	vor.u32 v3, v26;
	v39 =	vor.u32 v3, v28;
	v28 =	vshll.u32 v57, $0x4  }
0x15e: {  	v26 =	vperm.xlane v17, v11;
	v25 =	vld.idx.msk [tilespmem:v25+s13+$0x0], $0xffff;
	v57 =	vperm.xlane v17, v16;
	v41 =	vor.u32 v3, v28  }
0x15f: {  	v28 =	vperm.xlane v18, v12;
	v23 =	vshll.u32 v23, $0x4;
	v22 =	vshll.u32 v22, $0x4  }
0x160: {  	v27 =	vld.idx.msk [tilespmem:v27+s13+$0x0], $0xffff;
	v26 =	vshll.u32 v26, $0x4;
	v37 =	vor.u32 v3, v22;
	v22 =	vperm.xlane v18, v13  }
0x161: {  	[tilespmem:s25+$0xFFFFFE50] =	vst v34;
	v36 =	vor.u32 v3, v26;
	v26 =	vperm.xlane v17, v12;
	v28 =	vshll.u32 v28, $0x4  }
0x162: {  	v23 =	vor.u32 v3, v23;
	v34 =	vor.u32 v3, v28;
	v28 =	vperm.xlane v17, v13;
	[tilespmem:s25+$0xFFFFFF60] =	vst v31  }
0x163: {  	v22 =	vshll.u32 v22, $0x4;
	v31 =	vperm.xlane v19, v13;
	[tilespmem:s25+$0xFFFFFC60] =	vst v25;
	v25 =	vshll.u32 v26, $0x4;
	v30 =	vld.idx.msk [tilespmem:v30+s13+$0x0], $0xffff  }
0x164: {  	v20 =	vld.idx.msk [tilespmem:v20+s13+$0x0], $0xffff;
	v32 =	vor.u32 v3, v22;
	v22 =	vperm.xlane v18, v14;
	v35 =	vor.u32 v3, v25  }
0x165: {  	[tilespmem:s25+$0xFFFFFD60] =	vst v27;
	v60 =	vld.idx.msk [tilespmem:v29+s13+$0x0], $0xffff;
	v25 =	vperm.xlane v24, v9;
	v27 =	vshll.u32 v28, $0x4;
	v28 =	vperm.xlane v19, v15  }
0x166: {  	s31 =	simm.s32 $0x870;
	v44 =	vld.idx.msk [tilespmem:v62+s13+$0x0], $0xffff;
	v62 =	vperm.xlane v24, v10;
	v26 =	vshll.u32 v31, $0x4;
	v22 =	vshll.u32 v22, $0x4  }
0x167: {  	v61 =	vld [tilespmem:s31+$0x0];
	v33 =	vor.u32 v3, v26;
	v26 =	vperm.xlane v19, v14;
	v19 =	vperm.xlane v19, v16  }
0x168: {  	v58 =	vld [tilespmem:s31+$0xFFFFFFD0];
	v31 =	vor.u32 v3, v27;
	v27 =	vor.u32 v3, v22;
	v22 =	vperm.xlane v18, v15;
	[tilespmem:s25+$0xFFFFFF70] =	vst v30  }
0x169: {  	[tilespmem:s25+$0xFFFFFE60] =	vst v20;
	v18 =	vperm.xlane v18, v16;
	v19 =	vshll.u32 v19, $0x4;
	v20 =	vld.idx.msk [tilespmem:v23+s13+$0x0], $0xffff;
	v23 =	vshll.u32 v25, $0x4  }
0x16a: {  	v45 =	vld.idx.msk [tilespmem:v63+s13+$0x0], $0xffff;
	v25 =	vshll.u32 v26, $0x4;
	v26 =	vperm.xlane v17, v14;
	v23 =	vor.u32 v3, v23  }
0x16b: {  	v63 =	vld [tilespmem:s31+$0xFFFFFFE0];
	v22 =	vshll.u32 v22, $0x4;
	[tilespmem:s25+$0xFFFFFC70] =	vst v60;
	v30 =	vperm.xlane v17, v15;
	v19 =	vor.u32 v3, v19  }
0x16c: {  	[tilespmem:s25+$0xFFFFFD70] =	vst v44;
	v60 =	vperm.xlane v24, v11;
	v46 =	vld.idx.msk [tilespmem:v53+s13+$0x0], $0xffff;
	v29 =	vor.u32 v3, v25;
	v25 =	vshll.u32 v26, $0x4  }
0x16d: {  	v17 =	vshll.u32 v18, $0x4;
	v44 =	vld.idx.msk [tilespmem:v47+s13+$0x0], $0xffff;
	v26 =	vshll.u32 v28, $0x4;
	v28 =	vor.u32 v3, v25  }
0x16e: {  	v25 =	vor.u32 v3, v26;
	v26 =	vshll.u32 v30, $0x4;
	v30 =	vor.u32 v3, v22;
	v22 =	vld [tilespmem:s31+$0xFFFFFFF0];
	[tilespmem:s25+$0xFFFFFF80] =	vst v20  }
0x16f: {  	v18 =	vshll.u32 v57, $0x4;
	v17 =	vor.u32 v3, v17;
	v20 =	vshll.u32 v62, $0x4;
	v23 =	vld.idx.msk [tilespmem:v23+s13+$0x0], $0xffff  }
0x170: {  	v59 =	vadd.s32 $0x1, v63;
	[tilespmem:s25+$0xFFFFFE70] =	vst v45;
	v54 =	vor.u32 v3, v20;
	v20 =	vadd.s32 $0x1, v61  }
0x171: {  	v18 =	vor.u32 v3, v18;
	vm13 =	vgt.s32 v59, $0x0;
	[tilespmem:s25+$0xFFFFFC80] =	vst v46;
	v61 =	vld.idx.msk [tilespmem:v48+s13+$0x0], $0xffff;
	vm12 =	vgt.s32 v20, $0x0  }
0x172: {  	v26 =	vor.u32 v3, v26;
	v47 =	vnsel vm13, $0x0, v59;
	[tilespmem:s25+$0xFFFFFD80] =	vst v44;
	v49 =	vld.idx.msk [tilespmem:v49+s13+$0x0], $0xffff;
	v20 =	vnsel vm12, $0x0, v20  }
0x173: {  	v62 =	vadd.s32 $0x1, v58;
	v58 =	vld.idx.msk [tilespmem:v21+s13+$0x0], $0xffff;
	v22 =	vadd.s32 $0x1, v22;
	v20 =	vmin.u32 v20, $0x15  }
0x174: {  	vm14 =	vgt.s32 v62, $0x0;
	vm15 =	vgt.s32 v22, $0x0;
	v63 =	vperm.xlane v20, v1;
	[tilespmem:s25+$0xFFFFFF90] =	vst v23  }
0x175: {  	v57 =	vnsel vm15, $0x0, v22;
	v22 =	vmin.u32 v47, $0x15;
	v23 =	vshll.u32 v60, $0x4;
	v55 =	vld.idx.msk [tilespmem:v54+s13+$0x0], $0xffff  }
0x176: {  	[tilespmem:s25+$0xFFFFFE80] =	vst v61;
	v61 =	vperm.xlane v24, v12;
	v56 =	vor.u32 v3, v23;
	v45 =	vshll.u32 v63, $0x4  }
0x177: {  	v21 =	vmin.u32 v57, $0x15;
	[tilespmem:s25+$0xFFFFFC90] =	vst v49;
	v47 =	vperm.xlane v22, v1;
	v42 =	vld.idx.msk [tilespmem:v42+s13+$0x0], $0xffff;
	v59 =	vor.u32 v3, v45  }
0x178: {  	[tilespmem:s25+$0xFFFFFD90] =	vst v58;
	v57 =	vperm.xlane v22, v0;
	v23 =	vnsel vm14, $0x0, v62;
	v62 =	vperm.xlane v21, v1;
	v43 =	vld.idx.msk [tilespmem:v43+s13+$0x0], $0xffff  }
0x179: {  	v40 =	vld.idx.msk [tilespmem:v40+s13+$0x0], $0xffff;
	v23 =	vmin.u32 v23, $0x15;
	v46 =	vshll.u32 v61, $0x4;
	v61 =	vperm.xlane v24, v13  }
0x17a: {  	v47 =	vshll.u32 v47, $0x4;
	v60 =	vperm.xlane v23, v1;
	v63 =	vperm.xlane v23, v0;
	[tilespmem:s25+$0xFFFFFFA0] =	vst v55  }
0x17b: {  	v46 =	vor.u32 v3, v46;
	v47 =	vor.u32 v3, v47;
	v49 =	vshll.u32 v62, $0x4;
	v51 =	vld.idx.msk [tilespmem:v56+s13+$0x0], $0xffff  }
0x17c: {  	v62 =	vperm.xlane v23, v4;
	v49 =	vor.u32 v3, v49;
	v45 =	vshll.u32 v60, $0x4;
	[tilespmem:s25+$0xFFFFFE90] =	vst v42;
	v44 =	vld.idx.msk [tilespmem:v59+s13+$0x0], $0xffff  }
0x17d: {  	v48 =	vshll.u32 v61, $0x4;
	v61 =	vperm.xlane v22, v5;
	v45 =	vor.u32 v3, v45;
	[tilespmem:s25+$0xFFFFFCA0] =	vst v43;
	v39 =	vld.idx.msk [tilespmem:v39+s13+$0x0], $0xffff  }
0x17e: {  	v58 =	vshll.u32 v63, $0x4;
	v60 =	vshll.u32 v57, $0x4;
	v63 =	vperm.xlane v22, v4;
	[tilespmem:s25+$0xFFFFFDA0] =	vst v40;
	v41 =	vld.idx.msk [tilespmem:v41+s13+$0x0], $0xffff  }
0x17f: {  	v57 =	vperm.xlane v20, v4;
	v48 =	vor.u32 v3, v48;
	v42 =	vor.u32 v3, v58;
	v38 =	vld.idx.msk [tilespmem:v38+s13+$0x0], $0xffff  }
0x180: {  	s26 =	simm.s32 $0x97F0;
	v43 =	vor.u32 v3, v60;
	v56 =	vperm.xlane v20, v0;
	v47 =	vld.idx.msk [tilespmem:v47+s13+$0x0], $0xffff;
	[tilespmem:s25+$0xFFFFFFB0] =	vst v51  }
0x181: {  	v60 =	vperm.xlane v23, v5;
	v59 =	vperm.xlane v21, v0;
	v49 =	vld.idx.msk [tilespmem:v49+s13+$0x0], $0xffff;
	[tilespmem:s26+$0xFFFFFF10] =	vst v44  }
0x182: {  	v55 =	vperm.xlane v21, v5;
	v58 =	vshll.u32 v63, $0x4;
	v52 =	vshll.u32 v56, $0x4;
	v45 =	vld.idx.msk [tilespmem:v45+s13+$0x0], $0xffff;
	[tilespmem:s25+$0xFFFFFEA0] =	vst v39  }
0x183: {  	v63 =	vperm.xlane v23, v2;
	v50 =	vshll.u32 v59, $0x4;
	v52 =	vor.u32 v3, v52;
	[tilespmem:s25+$0xFFFFFCB0] =	vst v41;
	v46 =	vld.idx.msk [tilespmem:v46+s13+$0x0], $0xffff  }
0x184: {  	v54 =	vshll.u32 v57, $0x4;
	v59 =	vperm.xlane v21, v4;
	v50 =	vor.u32 v3, v50;
	[tilespmem:s25+$0xFFFFFDB0] =	vst v38;
	v36 =	vld.idx.msk [tilespmem:v36+s13+$0x0], $0xffff  }
0x185: {  	v57 =	vperm.xlane v20, v5;
	v54 =	vor.u32 v3, v54;
	v40 =	vshll.u32 v60, $0x4;
	[tilespmem:s26+$0xFFFFFD10] =	vst v47;
	v37 =	vld.idx.msk [tilespmem:v37+s13+$0x0], $0xffff  }
0x186: {  	v60 =	vperm.xlane v21, v2;
	v40 =	vor.u32 v3, v40;
	v53 =	vshll.u32 v59, $0x4;
	v34 =	vld.idx.msk [tilespmem:v34+s13+$0x0], $0xffff;
	[tilespmem:s26+$0xFFFFFE10] =	vst v49  }
0x187: {  	v59 =	vperm.xlane v22, v2;
	v51 =	vshll.u32 v62, $0x4;
	v53 =	vor.u32 v3, v53;
	v43 =	vld.idx.msk [tilespmem:v43+s13+$0x0], $0xffff;
	[tilespmem:s26+$0xFFFFFC10] =	vst v45  }
0x188: {  	v62 =	vperm.xlane v24, v14;
	v39 =	vshll.u32 v61, $0x4;
	v61 =	vperm.xlane v23, v6;
	v52 =	vld.idx.msk [tilespmem:v52+s13+$0x0], $0xffff;
	[tilespmem:s25+$0xFFFFFFC0] =	vst v46  }
0x189: {  	v56 =	vshll.u32 v55, $0x4;
	v44 =	vor.u32 v3, v51;
	v51 =	vor.u32 v3, v58;
	v50 =	vld.idx.msk [tilespmem:v50+s13+$0x0], $0xffff;
	[tilespmem:s25+$0xFFFFFEB0] =	vst v36  }
0x18a: {  	v39 =	vor.u32 v3, v39;
	v47 =	vor.u32 v3, v56;
	v41 =	vshll.u32 v59, $0x4;
	v42 =	vld.idx.msk [tilespmem:v42+s13+$0x0], $0xffff;
	[tilespmem:s25+$0xFFFFFCC0] =	vst v37  }
0x18b: {  	v59 =	vperm.xlane v22, v7;
	v41 =	vor.u32 v3, v41;
	[tilespmem:s25+$0xFFFFFDC0] =	vst v34;
	v48 =	vld.idx.msk [tilespmem:v48+s13+$0x0], $0xffff  }
0x18c: {  	v45 =	vshll.u32 v63, $0x4;
	v63 =	vperm.xlane v22, v6;
	v46 =	vshll.u32 v62, $0x4;
	[tilespmem:s26+$0xFFFFFD20] =	vst v43;
	v35 =	vld.idx.msk [tilespmem:v35+s13+$0x0], $0xffff  }
0x18d: {  	v55 =	vor.u32 v3, v45;
	v46 =	vor.u32 v3, v46;
	v32 =	vld.idx.msk [tilespmem:v32+s13+$0x0], $0xffff;
	[tilespmem:s26+$0xFFFFFF20] =	vst v52  }
0x18e: {  	v45 =	vshll.u32 v61, $0x4;
	v61 =	vperm.xlane v20, v2;
	v52 =	vshll.u32 v57, $0x4;
	[tilespmem:s26+$0xFFFFFE20] =	vst v50;
	v58 =	vld.idx.msk [tilespmem:v54+s13+$0x0], $0xffff  }
0x18f: {  	v62 =	vperm.xlane v24, v15;
	v51 =	vld.idx.msk [tilespmem:v51+s13+$0x0], $0xffff;
	v52 =	vor.u32 v3, v52;
	[tilespmem:s26+$0xFFFFFC20] =	vst v42  }
0x190: {  	v56 =	vor.u32 v3, v45;
	v24 =	vperm.xlane v24, v16;
	v38 =	vld.idx.msk [tilespmem:v53+s13+$0x0], $0xffff;
	[tilespmem:s25+$0xFFFFFFD0] =	vst v48  }
0x191: {  	v45 =	vshll.u32 v59, $0x4;
	v59 =	vperm.xlane v23, v10;
	v57 =	vshll.u32 v61, $0x4;
	v44 =	vld.idx.msk [tilespmem:v44+s13+$0x0], $0xffff;
	[tilespmem:s25+$0xFFFFFEC0] =	vst v35  }
0x192: {  	v61 =	vperm.xlane v23, v8;
	v24 =	vshll.u32 v24, $0x4;
	v50 =	vor.u32 v3, v45;
	[tilespmem:s25+$0xFFFFFDD0] =	vst v32;
	v46 =	vld.idx.msk [tilespmem:v46+s13+$0x0], $0xffff  }
0x193: {  	v54 =	vshll.u32 v60, $0x4;
	v60 =	vperm.xlane v21, v6;
	v48 =	vshll.u32 v62, $0x4;
	v31 =	vld.idx.msk [tilespmem:v31+s13+$0x0], $0xffff;
	[tilespmem:s26+$0xFFFFFF30] =	vst v58  }
0x194: {  	v43 =	vshll.u32 v63, $0x4;
	v24 =	vor.u32 v3, v24;
	v48 =	vor.u32 v3, v48;
	[tilespmem:s26+$0xFFFFFD30] =	vst v51;
	v63 =	vld.idx.msk [tilespmem:v52+s13+$0x0], $0xffff  }
0x195: {  	v62 =	vshll.u32 v60, $0x4;
	v60 =	vperm.xlane v21, v7;
	v58 =	vperm.xlane v23, v7;
	v39 =	vld.idx.msk [tilespmem:v39+s13+$0x0], $0xffff;
	[tilespmem:s26+$0xFFFFFE30] =	vst v38  }
0x196: {  	v52 =	vor.u32 v3, v43;
	v43 =	vor.u32 v3, v57;
	v47 =	vld.idx.msk [tilespmem:v47+s13+$0x0], $0xffff;
	[tilespmem:s26+$0xFFFFFC30] =	vst v44  }
0x197: {  	v42 =	vor.u32 v3, v54;
	v53 =	vor.u32 v3, v62;
	v62 =	vshll.u32 v60, $0x4;
	v40 =	vld.idx.msk [tilespmem:v40+s13+$0x0], $0xffff;
	[tilespmem:s25+$0xFFFFFFE0] =	vst v46  }
0x198: {  	v51 =	vperm.xlane v22, v8;
	v54 =	vor.u32 v3, v62;
	v36 =	vshll.u32 v58, $0x4;
	[tilespmem:s25+$0xFFFFFED0] =	vst v31;
	v31 =	vld.idx.msk [tilespmem:v27+s13+$0x0], $0xffff  }
0x199: {  	v44 =	vshll.u32 v61, $0x4;
	v61 =	vperm.xlane v23, v9;
	v48 =	vld.idx.msk [tilespmem:v48+s13+$0x0], $0xffff;
	[tilespmem:s26+$0xFFFFFF40] =	vst v63;
	v63 =	vperm.xlane v20, v6  }
0x19a: {  	v38 =	vshll.u32 v51, $0x4;
	v58 =	vperm.xlane v20, v7;
	v49 =	vor.u32 v3, v36;
	[tilespmem:s26+$0xFFFFFD40] =	vst v39;
	v32 =	vld.idx.msk [tilespmem:v28+s13+$0x0], $0xffff  }
0x19b: {  	v57 =	vor.u32 v3, v44;
	[tilespmem:s26+$0xFFFFFE40] =	vst v47;
	v36 =	vld.idx.msk [tilespmem:v43+s13+$0x0], $0xffff;
	v43 =	vperm.xlane v21, v8;
	v60 =	vshll.u32 v63, $0x4  }
0x19c: {  	v33 =	vld.idx.msk [tilespmem:v33+s13+$0x0], $0xffff;
	v37 =	vshll.u32 v61, $0x4;
	v46 =	vor.u32 v3, v38;
	[tilespmem:s26+$0xFFFFFC40] =	vst v40;
	v62 =	vor.u32 v3, v60  }
0x19d: {  	v61 =	vperm.xlane v21, v10;
	v41 =	vld.idx.msk [tilespmem:v41+s13+$0x0], $0xffff;
	v63 =	vperm.xlane v22, v9;
	v43 =	vshll.u32 v43, $0x4;
	[tilespmem:s25+$0xFFFFFDE0] =	vst v31  }
0x19e: {  	v60 =	vperm.xlane v22, v10;
	v31 =	vperm.xlane v22, v15;
	[tilespmem:s25+$0xFFFFFFF0] =	vst v48;
	v45 =	vor.u32 v3, v43  }
0x19f: {  	v48 =	vld.idx.msk [tilespmem:v55+s13+$0x0], $0xffff;
	v43 =	vor.u32 v3, v37;
	v51 =	vshll.u32 v63, $0x4;
	v55 =	vperm.xlane v21, v9;
	[tilespmem:s25+$0xFFFFFEE0] =	vst v32  }
0x1a0: {  	v34 =	vld.idx.msk [tilespmem:v42+s13+$0x0], $0xffff;
	v32 =	vperm.xlane v21, v15;
	v40 =	vor.u32 v3, v51;
	v63 =	vshll.u32 v60, $0x4;
	[tilespmem:s26+$0xFFFFFF50] =	vst v36  }
0x1a1: {  	v51 =	vshll.u32 v61, $0x4;
	v60 =	vperm.xlane v21, v11;
	v36 =	vshll.u32 v58, $0x4;
	v47 =	vld.idx.msk [tilespmem:v62+s13+$0x0], $0xffff  }
0x1a2: {  	[tilespmem:s25+$0xFFFFFCD0] =	vst v33;
	v24 =	vld.idx.msk [tilespmem:v24+s13+$0x0], $0xffff;
	v61 =	vperm.xlane v20, v8;
	v38 =	vshll.u32 v55, $0x4;
	v36 =	vor.u32 v3, v36  }
0x1a3: {  	[tilespmem:s26+$0xFFFFFD50] =	vst v41;
	v55 =	vperm.xlane v23, v11;
	v58 =	vperm.xlane v22, v11;
	v39 =	vor.u32 v3, v51  }
0x1a4: {  	v52 =	vld.idx.msk [tilespmem:v52+s13+$0x0], $0xffff;
	v42 =	vor.u32 v3, v38;
	v38 =	vor.u32 v3, v63;
	v62 =	vshll.u32 v59, $0x4;
	[tilespmem:s26+$0xFFFFFC50] =	vst v48  }
0x1a5: {  	[tilespmem:s26+$0xFFFFFE50] =	vst v34;
	v59 =	vperm.xlane v23, v12;
	v35 =	vshll.u32 v55, $0x4;
	v37 =	vshll.u32 v58, $0x4;
	v33 =	vld.idx.msk [tilespmem:v56+s13+$0x0], $0xffff  }
0x1a6: {  	v53 =	vld.idx.msk [tilespmem:v53+s13+$0x0], $0xffff;
	v44 =	vor.u32 v3, v62;
	v41 =	vor.u32 v3, v35;
	v62 =	vshll.u32 v60, $0x4;
	[tilespmem:s26+$0xFFFFFF60] =	vst v47  }
0x1a7: {  	[tilespmem:s25+$0x0] =	vst v24;
	v24 =	vperm.xlane v22, v12;
	v35 =	vor.u32 v3, v62;
	v56 =	vshll.u32 v61, $0x4;
	v63 =	vld.idx.msk [tilespmem:v36+s13+$0x0], $0xffff  }
0x1a8: {  	v58 =	vshll.u32 v59, $0x4;
	v59 =	vperm.xlane v21, v12;
	v61 =	vld.idx.msk [tilespmem:v29+s13+$0x0], $0xffff;
	v29 =	vperm.xlane v23, v13  }
0x1a9: {  	v62 =	vperm.xlane v21, v13;
	v60 =	vor.u32 v3, v56;
	[tilespmem:s26+$0xFFFFFD60] =	vst v52;
	v24 =	vshll.u32 v24, $0x4  }
0x1aa: {  	v56 =	vld.idx.msk [tilespmem:v50+s13+$0x0], $0xffff;
	[tilespmem:s26+$0xFFFFFC60] =	vst v33;
	v33 =	vor.u32 v3, v24;
	v24 =	vperm.xlane v22, v13  }
0x1ab: {  	v27 =	vshll.u32 v59, $0x4;
	v28 =	vshll.u32 v29, $0x4;
	[tilespmem:s26+$0xFFFFFE60] =	vst v53;
	v59 =	vperm.xlane v22, v14;
	v50 =	vld.idx.msk [tilespmem:v30+s13+$0x0], $0xffff  }
0x1ac: {  	v34 =	vor.u32 v3, v27;
	v47 =	vld.idx.msk [tilespmem:v49+s13+$0x0], $0xffff;
	v24 =	vshll.u32 v24, $0x4;
	[tilespmem:s26+$0xFFFFFF70] =	vst v63;
	v63 =	vperm.xlane v20, v9  }
0x1ad: {  	v29 =	vor.u32 v3, v28;
	v52 =	vld.idx.msk [tilespmem:v54+s13+$0x0], $0xffff;
	v27 =	vor.u32 v3, v24;
	v24 =	vshll.u32 v62, $0x4  }
0x1ae: {  	v36 =	vor.u32 v3, v58;
	v28 =	vor.u32 v3, v24;
	v51 =	vld.idx.msk [tilespmem:v60+s13+$0x0], $0xffff;
	v24 =	vshll.u32 v63, $0x4  }
0x1af: {  	v58 =	vperm.xlane v23, v14;
	[tilespmem:s25+$0xFFFFFCE0] =	vst v61;
	v61 =	vperm.xlane v21, v14;
	v53 =	vor.u32 v3, v24  }
0x1b0: {  	v37 =	vor.u32 v3, v37;
	v49 =	vld.idx.msk [tilespmem:v25+s13+$0x0], $0xffff;
	v25 =	vshll.u32 v59, $0x4;
	v62 =	vperm.xlane v23, v15  }
0x1b1: {  	s28 =	sadd.s32 s24, s5;
	v25 =	vor.u32 v3, v25;
	v60 =	vshll.u32 v58, $0x4;
	[tilespmem:s26+$0xFFFFFC70] =	vst v47;
	v63 =	vshll.u32 v61, $0x4;
	v47 =	vld.idx.msk [tilespmem:v26+s13+$0x0], $0xffff  }
0x1b2: {  	s29 =	simm.s32 $0x4;
	s30 =	simm.s32 $0x8B0;
	s28 =	sadd.s32 $0x800, s28;
	[tilespmem:s26+$0xFFFFFD70] =	vst v56;
	v30 =	vshll.u32 v62, $0x4;
	v24 =	vor.u32 v3, v60;
	v48 =	vld.idx.msk [tilespmem:v57+s13+$0x0], $0xffff;
	v26 =	vor.u32 v3, v63  }
.LBB2_5:
0x1b3: {  	v54 =	vld [tilespmem:s30+$0x0];
	v30 =	vor.u32 v3, v30;
	v31 =	vshll.u32 v31, $0x4;
	[tilespmem:s26+$0xFFFFFF80] =	vst v51;
	v51 =	vperm.xlane v20, v10  }
0x1b4: {  	s29 =	sadd.s32 $0x4, s29;
	v23 =	vperm.xlane v23, v16;
	v31 =	vor.u32 v3, v31;
	[tilespmem:s26+$0xFFFFFE70] =	vst v52;
	v32 =	vshll.u32 v32, $0x4;
	v52 =	vld.idx.msk [tilespmem:v53+s13+$0x0], $0xffff  }
0x1b5: {  	v22 =	vperm.xlane v22, v16;
	p1 =	slt.u32 s29, $0x7C;
	v53 =	vld [tilespmem:s30+$0xFFFFFFE0];
	v32 =	vor.u32 v3, v32;
	v51 =	vshll.u32 v51, $0x4;
	[tilespmem:s25+$0xFFFFFCF0] =	vst v49  }
0x1b6: {  	v21 =	vperm.xlane v21, v16;
	v23 =	vshll.u32 v23, $0x4;
	v49 =	vld [tilespmem:s30+$0xFFFFFFF0];
	v51 =	vor.u32 v3, v51;
	[tilespmem:s25+$0xFFFFFDF0] =	vst v50  }
0x1b7: {  	v22 =	vshll.u32 v22, $0x4;
	v23 =	vor.u32 v3, v23;
	v50 =	vld [tilespmem:s30+$0xFFFFFFD0];
	[tilespmem:s25+$0xFFFFFEF0] =	vst v47  }
0x1b8: {  	v21 =	vshll.u32 v21, $0x4;
	v22 =	vor.u32 v3, v22;
	[tilespmem:s26+$0xFFFFFC80] =	vst v48;
	v46 =	vld.idx.msk [tilespmem:v46+s13+$0x0], $0xffff  }
0x1b9: {  	v21 =	vor.u32 v3, v21;
	v47 =	vadd.s32 $0x1, v54;
	v45 =	vld.idx.msk [tilespmem:v45+s13+$0x0], $0xffff  }
0x1ba: {  	vm0 =	vgt.s32 v47, $0x0;
	v48 =	vadd.s32 $0x1, v53;
	v53 =	vld.idx.msk [tilespmem:v43+s13+$0x0], $0xffff;
	[tilespmem:s26+$0xFFFFFF90] =	vst v52;
	v52 =	vperm.xlane v20, v11  }
0x1bb: {  	v43 =	vnsel vm0, $0x0, v47;
	vm1 =	vgt.s32 v48, $0x0;
	v49 =	vadd.s32 $0x1, v49;
	v47 =	vld.idx.msk [tilespmem:v51+s13+$0x0], $0xffff  }
0x1bc: {  	v43 =	vmin.u32 v43, $0x15;
	v50 =	vadd.s32 $0x1, v50;
	v51 =	vshll.u32 v52, $0x4;
	v52 =	vld.idx.msk [tilespmem:v19+s13+$0x0], $0xffff;
	v19 =	vmovc v23  }
0x1bd: {  	v54 =	vperm.xlane v43, v1;
	vm0 =	vgt.s32 v50, $0x0;
	v51 =	vor.u32 v3, v51;
	v55 =	vld.idx.msk [tilespmem:v17+s13+$0x0], $0xffff;
	v17 =	vmovc v22  }
0x1be: {  	v48 =	vnsel vm1, $0x0, v48;
	v22 =	vnsel vm0, $0x0, v50;
	vm0 =	vgt.s32 v49, $0x0;
	[tilespmem:s26+$0xFFFFFD80] =	vst v46;
	v46 =	vld.idx.msk [tilespmem:v18+s13+$0x0], $0xffff;
	v18 =	vmovc v21  }
0x1bf: {  	v23 =	vmin.u32 v22, $0x15;
	v21 =	vnsel vm0, $0x0, v49;
	v49 =	vshll.u32 v54, $0x4;
	v40 =	vld.idx.msk [tilespmem:v40+s13+$0x0], $0xffff;
	[tilespmem:s26+$0xFFFFFE80] =	vst v45  }
0x1c0: {  	v22 =	vmin.u32 v48, $0x15;
	v21 =	vmin.u32 v21, $0x15;
	v45 =	vor.u32 v3, v49;
	[tilespmem:s26+$0xFFFFFC90] =	vst v53;
	v42 =	vld.idx.msk [tilespmem:v42+s13+$0x0], $0xffff  }
0x1c1: {  	v48 =	vperm.xlane v23, v1;
	v44 =	vld.idx.msk [tilespmem:v44+s13+$0x0], $0xffff;
	[tilespmem:s26+$0xFFFFFFA0] =	vst v47;
	v47 =	vperm.xlane v20, v12  }
0x1c2: {  	v49 =	vperm.xlane v22, v1;
	v50 =	vperm.xlane v21, v1;
	v51 =	vld.idx.msk [tilespmem:v51+s13+$0x0], $0xffff;
	[tilespmem:s25+$0xFFFFFD00] =	vst v52  }
0x1c3: {  	v48 =	vshll.u32 v48, $0x4;
	v52 =	vperm.xlane v23, v0;
	v47 =	vshll.u32 v47, $0x4;
	[tilespmem:s25+$0xFFFFFE00] =	vst v55  }
0x1c4: {  	v53 =	vperm.xlane v43, v0;
	v49 =	vshll.u32 v49, $0x4;
	v47 =	vor.u32 v3, v47;
	[tilespmem:s25+$0xFFFFFF00] =	vst v46;
	s25 =	smov.u32 s26  }
0x1c5: {  	v46 =	vor.u32 v3, v48;
	v48 =	vor.u32 v3, v49;
	v49 =	vshll.u32 v50, $0x4;
	v45 =	vld.idx.msk [tilespmem:v45+s13+$0x0], $0xffff;
	[tilespmem:s26+$0xFFFFFD90] =	vst v40  }
0x1c6: {  	v50 =	vshll.u32 v53, $0x4;
	v40 =	vperm.xlane v22, v0;
	v49 =	vor.u32 v3, v49;
	v38 =	vld.idx.msk [tilespmem:v38+s13+$0x0], $0xffff;
	[tilespmem:s26+$0xFFFFFE90] =	vst v42  }
0x1c7: {  	v50 =	vor.u32 v3, v50;
	v42 =	vshll.u32 v52, $0x4;
	v52 =	vperm.xlane v21, v0;
	[tilespmem:s26+$0xFFFFFCA0] =	vst v44;
	v39 =	vld.idx.msk [tilespmem:v39+s13+$0x0], $0xffff  }
0x1c8: {  	v42 =	vor.u32 v3, v42;
	v40 =	vshll.u32 v40, $0x4;
	v44 =	vperm.xlane v20, v13;
	v41 =	vld.idx.msk [tilespmem:v41+s13+$0x0], $0xffff;
	[tilespmem:s26+$0xFFFFFFB0] =	vst v51  }
0x1c9: {  	v51 =	vperm.xlane v23, v4;
	v40 =	vor.u32 v3, v40;
	v52 =	vshll.u32 v52, $0x4;
	v47 =	vld.idx.msk [tilespmem:v47+s13+$0x0], $0xffff  }
0x1ca: {  	v53 =	vperm.xlane v22, v4;
	s26 =	sadd.s32 $0x400, s26;
	v52 =	vor.u32 v3, v52;
	v44 =	vshll.u32 v44, $0x4;
	v46 =	vld.idx.msk [tilespmem:v46+s13+$0x0], $0xffff  }
0x1cb: {  	v51 =	vshll.u32 v51, $0x4;
	v44 =	vor.u32 v3, v44;
	v48 =	vld.idx.msk [tilespmem:v48+s13+$0x0], $0xffff;
	[tilespmem:s26+$0xFFFFFF10] =	vst v45;
	v45 =	vperm.xlane v43, v4  }
0x1cc: {  	v54 =	vperm.xlane v21, v4;
	v53 =	vshll.u32 v53, $0x4;
	v51 =	vor.u32 v3, v51;
	v50 =	vld.idx.msk [tilespmem:v50+s13+$0x0], $0xffff;
	[tilespmem:s25+$0xFFFFFDA0] =	vst v38  }
0x1cd: {  	v53 =	vor.u32 v3, v53;
	v38 =	vperm.xlane v23, v5;
	v49 =	vld.idx.msk [tilespmem:v49+s13+$0x0], $0xffff;
	v45 =	vshll.u32 v45, $0x4;
	[tilespmem:s25+$0xFFFFFEA0] =	vst v39  }
0x1ce: {  	v54 =	vshll.u32 v54, $0x4;
	v39 =	vperm.xlane v22, v5;
	v45 =	vor.u32 v3, v45;
	[tilespmem:s25+$0xFFFFFCB0] =	vst v41;
	v37 =	vld.idx.msk [tilespmem:v37+s13+$0x0], $0xffff  }
0x1cf: {  	v41 =	vor.u32 v3, v54;
	v54 =	vperm.xlane v21, v5;
	[tilespmem:s25+$0xFFFFFFC0] =	vst v47;
	v47 =	vperm.xlane v20, v14  }
0x1d0: {  	v38 =	vshll.u32 v38, $0x4;
	v39 =	vshll.u32 v39, $0x4;
	[tilespmem:s26+$0xFFFFFC10] =	vst v46;
	v46 =	vperm.xlane v23, v2;
	v44 =	vld.idx.msk [tilespmem:v44+s13+$0x0], $0xffff  }
0x1d1: {  	v38 =	vor.u32 v3, v38;
	v42 =	vld.idx.msk [tilespmem:v42+s13+$0x0], $0xffff;
	[tilespmem:s26+$0xFFFFFD10] =	vst v48;
	v48 =	vshll.u32 v54, $0x4;
	v47 =	vshll.u32 v47, $0x4  }
0x1d2: {  	v46 =	vshll.u32 v46, $0x4;
	v40 =	vld.idx.msk [tilespmem:v40+s13+$0x0], $0xffff;
	[tilespmem:s26+$0xFFFFFF20] =	vst v50;
	v50 =	vperm.xlane v43, v5;
	v47 =	vor.u32 v3, v47  }
0x1d3: {  	v39 =	vor.u32 v3, v39;
	v48 =	vor.u32 v3, v48;
	[tilespmem:s26+$0xFFFFFE10] =	vst v49;
	v45 =	vld.idx.msk [tilespmem:v45+s13+$0x0], $0xffff  }
0x1d4: {  	v54 =	vperm.xlane v21, v2;
	v49 =	vperm.xlane v22, v2;
	v52 =	vld.idx.msk [tilespmem:v52+s13+$0x0], $0xffff;
	v50 =	vshll.u32 v50, $0x4;
	[tilespmem:s25+$0xFFFFFDB0] =	vst v37  }
0x1d5: {  	v37 =	vor.u32 v3, v46;
	v46 =	vperm.xlane v23, v6;
	v50 =	vor.u32 v3, v50;
	v35 =	vld.idx.msk [tilespmem:v35+s13+$0x0], $0xffff  }
0x1d6: {  	v54 =	vshll.u32 v54, $0x4;
	v49 =	vshll.u32 v49, $0x4;
	v36 =	vld.idx.msk [tilespmem:v36+s13+$0x0], $0xffff;
	[tilespmem:s25+$0xFFFFFFD0] =	vst v44;
	v44 =	vperm.xlane v20, v15  }
0x1d7: {  	v54 =	vor.u32 v3, v54;
	v49 =	vor.u32 v3, v49;
	[tilespmem:s26+$0xFFFFFC20] =	vst v42;
	v42 =	vshll.u32 v46, $0x4;
	v46 =	vld.idx.msk [tilespmem:v47+s13+$0x0], $0xffff  }
0x1d8: {  	v47 =	vld.idx.msk [tilespmem:v51+s13+$0x0], $0xffff;
	[tilespmem:s26+$0xFFFFFD20] =	vst v40;
	v40 =	vperm.xlane v22, v6;
	v51 =	vperm.xlane v21, v6;
	v44 =	vshll.u32 v44, $0x4  }
0x1d9: {  	v53 =	vld.idx.msk [tilespmem:v53+s13+$0x0], $0xffff;
	[tilespmem:s26+$0xFFFFFF30] =	vst v45;
	v45 =	vperm.xlane v43, v2;
	v44 =	vor.u32 v3, v44  }
0x1da: {  	v55 =	vor.u32 v3, v42;
	v40 =	vshll.u32 v40, $0x4;
	[tilespmem:s26+$0xFFFFFE20] =	vst v52;
	v42 =	vshll.u32 v51, $0x4;
	v50 =	vld.idx.msk [tilespmem:v50+s13+$0x0], $0xffff  }
0x1db: {  	v51 =	vor.u32 v3, v40;
	v40 =	vld.idx.msk [tilespmem:v41+s13+$0x0], $0xffff;
	v52 =	vor.u32 v3, v42;
	v41 =	vshll.u32 v45, $0x4;
	[tilespmem:s25+$0xFFFFFEB0] =	vst v35  }
0x1dc: {  	v35 =	vperm.xlane v23, v7;
	v42 =	vperm.xlane v22, v7;
	v41 =	vor.u32 v3, v41;
	v33 =	vld.idx.msk [tilespmem:v33+s13+$0x0], $0xffff  }
0x1dd: {  	v45 =	vperm.xlane v21, v7;
	v34 =	vld.idx.msk [tilespmem:v34+s13+$0x0], $0xffff;
	[tilespmem:s25+$0xFFFFFFE0] =	vst v46;
	v46 =	vperm.xlane v20, v16;
	v20 =	vmov v43  }
0x1de: {  	v35 =	vshll.u32 v35, $0x4;
	v43 =	vperm.xlane v23, v8;
	v42 =	vshll.u32 v42, $0x4;
	[tilespmem:s26+$0xFFFFFC30] =	vst v47;
	v44 =	vld.idx.msk [tilespmem:v44+s13+$0x0], $0xffff  }
0x1df: {  	v47 =	vor.u32 v3, v35;
	v35 =	vshll.u32 v45, $0x4;
	v38 =	vld.idx.msk [tilespmem:v38+s13+$0x0], $0xffff;
	[tilespmem:s26+$0xFFFFFD30] =	vst v53;
	v45 =	vshll.u32 v46, $0x4  }
0x1e0: {  	v43 =	vshll.u32 v43, $0x4;
	v46 =	vperm.xlane v20, v6;
	v39 =	vld.idx.msk [tilespmem:v39+s13+$0x0], $0xffff;
	[tilespmem:s26+$0xFFFFFF40] =	vst v50;
	v50 =	vor.u32 v3, v45  }
0x1e1: {  	v53 =	vor.u32 v3, v42;
	v56 =	vor.u32 v3, v35;
	[tilespmem:s26+$0xFFFFFE30] =	vst v40;
	v35 =	vld.idx.msk [tilespmem:v41+s13+$0x0], $0xffff  }
0x1e2: {  	v42 =	vperm.xlane v21, v8;
	v40 =	vperm.xlane v22, v8;
	v45 =	vshll.u32 v46, $0x4;
	v41 =	vld.idx.msk [tilespmem:v48+s13+$0x0], $0xffff;
	[tilespmem:s25+$0xFFFFFCC0] =	vst v36  }
0x1e3: {  	v48 =	vor.u32 v3, v43;
	v36 =	vperm.xlane v23, v9;
	v57 =	vor.u32 v3, v45;
	[tilespmem:s25+$0xFFFFFDC0] =	vst v33  }
0x1e4: {  	v42 =	vshll.u32 v42, $0x4;
	v33 =	vshll.u32 v40, $0x4;
	v40 =	vperm.xlane v22, v9;
	v29 =	vld.idx.msk [tilespmem:v29+s13+$0x0], $0xffff;
	[tilespmem:s25+$0xFFFFFFF0] =	vst v44  }
0x1e5: {  	v45 =	vor.u32 v3, v42;
	v36 =	vshll.u32 v36, $0x4;
	v46 =	vor.u32 v3, v33;
	[tilespmem:s26+$0xFFFFFC40] =	vst v38;
	v33 =	vld.idx.msk [tilespmem:v50+s13+$0x0], $0xffff  }
0x1e6: {  	v43 =	vor.u32 v3, v36;
	v36 =	vshll.u32 v40, $0x4;
	v38 =	vperm.xlane v21, v9;
	v37 =	vld.idx.msk [tilespmem:v37+s13+$0x0], $0xffff;
	[tilespmem:s26+$0xFFFFFD40] =	vst v39  }
0x1e7: {  	v40 =	vor.u32 v3, v36;
	v49 =	vld.idx.msk [tilespmem:v49+s13+$0x0], $0xffff;
	[tilespmem:s26+$0xFFFFFF50] =	vst v35;
	v35 =	vperm.xlane v20, v7  }
0x1e8: {  	v36 =	vperm.xlane v23, v10;
	v39 =	vperm.xlane v22, v10;
	v38 =	vshll.u32 v38, $0x4;
	[tilespmem:s26+$0xFFFFFE40] =	vst v41;
	v41 =	vld.idx.msk [tilespmem:v57+s13+$0x0], $0xffff  }
0x1e9: {  	v42 =	vor.u32 v3, v38;
	v50 =	vld.idx.msk [tilespmem:v54+s13+$0x0], $0xffff;
	v54 =	vperm.xlane v21, v10;
	v35 =	vshll.u32 v35, $0x4;
	[tilespmem:s25+$0xFFFFFEC0] =	vst v34  }
0x1ea: {  	v34 =	vshll.u32 v36, $0x4;
	v36 =	vshll.u32 v39, $0x4;
	v35 =	vor.u32 v3, v35;
	[tilespmem:s25+$0xFFFFFCD0] =	vst v29;
	v27 =	vld.idx.msk [tilespmem:v27+s13+$0x0], $0xffff  }
0x1eb: {  	v44 =	vor.u32 v3, v34;
	v38 =	vor.u32 v3, v36;
	v29 =	vshll.u32 v54, $0x4;
	v28 =	vld.idx.msk [tilespmem:v28+s13+$0x0], $0xffff;
	[tilespmem:s25+$0x0] =	vst v33  }
0x1ec: {  	v34 =	vperm.xlane v22, v11;
	v33 =	vperm.xlane v23, v11;
	[tilespmem:s26+$0xFFFFFC50] =	vst v37;
	v39 =	vor.u32 v3, v29  }
0x1ed: {  	v36 =	vperm.xlane v23, v12;
	v29 =	vld.idx.msk [tilespmem:v55+s13+$0x0], $0xffff;
	[tilespmem:s26+$0xFFFFFD50] =	vst v49;
	v49 =	vperm.xlane v21, v11  }
0x1ee: {  	v54 =	vperm.xlane v20, v8;
	v34 =	vshll.u32 v34, $0x4;
	v33 =	vshll.u32 v33, $0x4;
	v51 =	vld.idx.msk [tilespmem:v51+s13+$0x0], $0xffff;
	[tilespmem:s26+$0xFFFFFF60] =	vst v41  }
0x1ef: {  	v37 =	vor.u32 v3, v34;
	v41 =	vor.u32 v3, v33;
	[tilespmem:s26+$0xFFFFFE50] =	vst v50;
	v33 =	vshll.u32 v49, $0x4;
	v49 =	vld.idx.msk [tilespmem:v35+s13+$0x0], $0xffff  }
0x1f0: {  	v34 =	vperm.xlane v22, v12;
	v50 =	vld.idx.msk [tilespmem:v52+s13+$0x0], $0xffff;
	v35 =	vor.u32 v3, v33;
	v33 =	vshll.u32 v54, $0x4;
	[tilespmem:s25+$0xFFFFFDD0] =	vst v27  }
0x1f1: {  	v27 =	vshll.u32 v36, $0x4;
	v52 =	vperm.xlane v21, v12;
	v54 =	vor.u32 v3, v33;
	v24 =	vld.idx.msk [tilespmem:v24+s13+$0x0], $0xffff;
	[tilespmem:s25+$0xFFFFFED0] =	vst v28  }
0x1f2: {  	v36 =	vor.u32 v3, v27;
	v27 =	vperm.xlane v23, v13;
	v28 =	vshll.u32 v34, $0x4;
	v25 =	vld.idx.msk [tilespmem:v25+s13+$0x0], $0xffff  }
0x1f3: {  	v33 =	vor.u32 v3, v28;
	v28 =	vperm.xlane v22, v13;
	[tilespmem:s26+$0xFFFFFC60] =	vst v29;
	v29 =	vshll.u32 v52, $0x4;
	v26 =	vld.idx.msk [tilespmem:v26+s13+$0x0], $0xffff  }
0x1f4: {  	v27 =	vshll.u32 v27, $0x4;
	v47 =	vld.idx.msk [tilespmem:v47+s13+$0x0], $0xffff;
	[tilespmem:s26+$0xFFFFFD60] =	vst v51;
	v34 =	vor.u32 v3, v29;
	v51 =	vperm.xlane v21, v13  }
0x1f5: {  	v29 =	vor.u32 v3, v27;
	v27 =	vshll.u32 v28, $0x4;
	v55 =	vld.idx.msk [tilespmem:v53+s13+$0x0], $0xffff;
	[tilespmem:s26+$0xFFFFFF70] =	vst v49;
	v49 =	vperm.xlane v20, v9  }
0x1f6: {  	v53 =	vperm.xlane v23, v14;
	v27 =	vor.u32 v3, v27;
	[tilespmem:s26+$0xFFFFFE60] =	vst v50;
	v28 =	vshll.u32 v51, $0x4;
	v51 =	vld.idx.msk [tilespmem:v54+s13+$0x0], $0xffff  }
.Ltmp1:
0x1f7: {  	v50 =	vperm.xlane v22, v14;
	v52 =	vld.idx.msk [tilespmem:v56+s13+$0x0], $0xffff;
	v28 =	vor.u32 v3, v28;
	v49 =	vshll.u32 v49, $0x4;
	[tilespmem:s25+$0xFFFFFCE0] =	vst v24;
	(pc) =	sbr.rel @p1 .LBB2_5-.Ltmp1, $4  }
0x1f8: {  	v54 =	vperm.xlane v21, v14;
	v24 =	vshll.u32 v53, $0x4;
	v53 =	vor.u32 v3, v49;
	v49 =	vld.idx.msk [tilespmem:v30+s13+$0x0], $0xffff;
	[tilespmem:s25+$0xFFFFFDE0] =	vst v25  }
0x1f9: {  	v24 =	vor.u32 v3, v24;
	v30 =	vperm.xlane v23, v15;
	v25 =	vshll.u32 v50, $0x4;
	v50 =	vld.idx.msk [tilespmem:v31+s13+$0x0], $0xffff;
	[tilespmem:s25+$0xFFFFFEE0] =	vst v26  }
0x1fa: {  	v25 =	vor.u32 v3, v25;
	v31 =	vperm.xlane v22, v15;
	v26 =	vshll.u32 v54, $0x4;
	[tilespmem:s26+$0xFFFFFC70] =	vst v47;
	v47 =	vld.idx.msk [tilespmem:v32+s13+$0x0], $0xffff  }
0x1fb: {  	s30 =	sadd.s32 $0x40, s30;
	v30 =	vshll.u32 v30, $0x4;
	v26 =	vor.u32 v3, v26;
	v32 =	vperm.xlane v21, v15;
	v48 =	vld.idx.msk [tilespmem:v48+s13+$0x0], $0xffff;
	[tilespmem:s26+$0xFFFFFD70] =	vst v55  }
0x1fc: {  	_ =	sdelay $0x3  }
0x1fd: {  	[tilespmem:s26+$0xFFFFFE70] =	vst v52;
	v46 =	vld.idx.msk [tilespmem:v46+s13+$0x0], $0xffff  }
0x1fe: {  	v45 =	vld.idx.msk [tilespmem:v45+s13+$0x0], $0xffff  }
0x1ff: {  	v59 =	vperm.xlane v20, v10  }
0x200: {  	[tilespmem:s26+$0xFFFFFF80] =	vst v51  }
0x201: {  	v51 =	vld.idx.msk [tilespmem:v53+s13+$0x0], $0xffff;
	v52 =	vshll.u32 v59, $0x4;
	[tilespmem:s26+$0xFFFFFC80] =	vst v48  }
0x202: {  	v60 =	vor.u32 v3, v52;
	v43 =	vld.idx.msk [tilespmem:v43+s13+$0x0], $0xffff;
	[tilespmem:s26+$0xFFFFFD80] =	vst v46  }
0x203: {  	v40 =	vld.idx.msk [tilespmem:v40+s13+$0x0], $0xffff;
	[tilespmem:s26+$0xFFFFFE80] =	vst v45  }
0x204: {  	v42 =	vld.idx.msk [tilespmem:v42+s13+$0x0], $0xffff  }
0x205: {  	v61 =	vperm.xlane v20, v11  }
0x206: {  	[tilespmem:s26+$0xFFFFFF90] =	vst v51  }
0x207: {  	v45 =	vshll.u32 v61, $0x4;
	v62 =	vld.idx.msk [tilespmem:v60+s13+$0x0], $0xffff;
	[tilespmem:s26+$0xFFFFFC90] =	vst v43  }
0x208: {  	v63 =	vor.u32 v3, v45;
	v44 =	vld.idx.msk [tilespmem:v44+s13+$0x0], $0xffff;
	[tilespmem:s26+$0xFFFFFD90] =	vst v40  }
0x209: {  	v38 =	vld.idx.msk [tilespmem:v38+s13+$0x0], $0xffff;
	[tilespmem:s26+$0xFFFFFE90] =	vst v42  }
0x20a: {  	v39 =	vld.idx.msk [tilespmem:v39+s13+$0x0], $0xffff  }
0x20b: {  	v45 =	vperm.xlane v20, v12  }
0x20c: {  	[tilespmem:s26+$0xFFFFFFA0] =	vst v62  }
0x20d: {  	v40 =	vshll.u32 v45, $0x4;
	v48 =	vld.idx.msk [tilespmem:v63+s13+$0x0], $0xffff;
	[tilespmem:s26+$0xFFFFFCA0] =	vst v44  }
0x20e: {  	v40 =	vor.u32 v3, v40;
	v41 =	vld.idx.msk [tilespmem:v41+s13+$0x0], $0xffff;
	[tilespmem:s26+$0xFFFFFDA0] =	vst v38  }
0x20f: {  	[tilespmem:s26+$0xFFFFFEA0] =	vst v39;
	v37 =	vld.idx.msk [tilespmem:v37+s13+$0x0], $0xffff  }
0x210: {  	v35 =	vld.idx.msk [tilespmem:v35+s13+$0x0], $0xffff  }
0x211: {  	v51 =	vperm.xlane v20, v13  }
0x212: {  	[tilespmem:s26+$0xFFFFFFB0] =	vst v48  }
0x213: {  	v38 =	vshll.u32 v51, $0x4;
	v52 =	vld.idx.msk [tilespmem:v40+s13+$0x0], $0xffff;
	[tilespmem:s26+$0xFFFFFCB0] =	vst v41  }
0x214: {  	v38 =	vor.u32 v3, v38;
	[tilespmem:s26+$0xFFFFFDB0] =	vst v37;
	v36 =	vld.idx.msk [tilespmem:v36+s13+$0x0], $0xffff  }
0x215: {  	[tilespmem:s26+$0xFFFFFEB0] =	vst v35;
	v33 =	vld.idx.msk [tilespmem:v33+s13+$0x0], $0xffff  }
0x216: {  	v34 =	vld.idx.msk [tilespmem:v34+s13+$0x0], $0xffff  }
0x217: {  	v53 =	vperm.xlane v20, v14  }
0x218: {  	[tilespmem:s26+$0xFFFFFFC0] =	vst v52  }
0x219: {  	v35 =	vshll.u32 v53, $0x4;
	v54 =	vld.idx.msk [tilespmem:v38+s13+$0x0], $0xffff;
	[tilespmem:s26+$0xFFFFFCC0] =	vst v36  }
0x21a: {  	v35 =	vor.u32 v3, v35;
	[tilespmem:s26+$0xFFFFFDC0] =	vst v33;
	v29 =	vld.idx.msk [tilespmem:v29+s13+$0x0], $0xffff  }
0x21b: {  	[tilespmem:s26+$0xFFFFFEC0] =	vst v34;
	v27 =	vld.idx.msk [tilespmem:v27+s13+$0x0], $0xffff  }
0x21c: {  	v28 =	vld.idx.msk [tilespmem:v28+s13+$0x0], $0xffff  }
0x21d: {  	v55 =	vperm.xlane v20, v15  }
0x21e: {  	[tilespmem:s26+$0xFFFFFFD0] =	vst v54  }
0x21f: {  	v33 =	vshll.u32 v55, $0x4;
	v56 =	vld.idx.msk [tilespmem:v35+s13+$0x0], $0xffff;
	[tilespmem:s26+$0xFFFFFCD0] =	vst v29  }
0x220: {  	v57 =	vor.u32 v3, v33;
	[tilespmem:s26+$0xFFFFFDD0] =	vst v27;
	v24 =	vld.idx.msk [tilespmem:v24+s13+$0x0], $0xffff  }
0x221: {  	v58 =	vor.u32 v3, v30;
	v59 =	vshll.u32 v31, $0x4;
	[tilespmem:s26+$0xFFFFFED0] =	vst v28;
	v25 =	vld.idx.msk [tilespmem:v25+s13+$0x0], $0xffff  }
0x222: {  	[tilespmem:s25+$0xFFFFFCF0] =	vst v49;
	v61 =	vshll.u32 v32, $0x4;
	v60 =	vor.u32 v3, v59;
	v26 =	vld.idx.msk [tilespmem:v26+s13+$0x0], $0xffff  }
0x223: {  	[tilespmem:s25+$0xFFFFFDF0] =	vst v50;
	v30 =	vor.u32 v3, v61;
	v62 =	vperm.xlane v20, v16  }
0x224: {  	v23 =	vperm.xlane v23, v16;
	v19 =	vld.idx.msk [tilespmem:v19+s13+$0x0], $0xffff;
	[tilespmem:s26+$0xFFFFFFE0] =	vst v56  }
0x225: {  	v22 =	vperm.xlane v22, v16;
	v20 =	vshll.u32 v62, $0x4;
	v29 =	vld.idx.msk [tilespmem:v57+s13+$0x0], $0xffff;
	[tilespmem:s26+$0xFFFFFCE0] =	vst v24  }
0x226: {  	v21 =	vperm.xlane v21, v16;
	v23 =	vshll.u32 v23, $0x4;
	v20 =	vor.u32 v3, v20;
	v24 =	vld.idx.msk [tilespmem:v58+s13+$0x0], $0xffff;
	[tilespmem:s26+$0xFFFFFDE0] =	vst v25  }
0x227: {  	v22 =	vshll.u32 v22, $0x4;
	v23 =	vor.u32 v3, v23;
	v25 =	vld.idx.msk [tilespmem:v60+s13+$0x0], $0xffff;
	[tilespmem:s26+$0xFFFFFEE0] =	vst v26  }
0x228: {  	v21 =	vshll.u32 v21, $0x4;
	[tilespmem:s25+$0xFFFFFEF0] =	vst v47;
	v22 =	vor.u32 v3, v22;
	v26 =	vld.idx.msk [tilespmem:v30+s13+$0x0], $0xffff  }
0x229: {  	v21 =	vor.u32 v3, v21;
	v17 =	vld.idx.msk [tilespmem:v17+s13+$0x0], $0xffff;
	[tilespmem:s25+$0xFFFFFD00] =	vst v19  }
0x22a: {  	v18 =	vld.idx.msk [tilespmem:v18+s13+$0x0], $0xffff;
	[tilespmem:s26+$0xFFFFFFF0] =	vst v29  }
0x22b: {  	v19 =	vld.idx.msk [tilespmem:v20+s13+$0x0], $0xffff;
	[tilespmem:s26+$0xFFFFFCF0] =	vst v24  }
0x22c: {  	[tilespmem:s26+$0xFFFFFDF0] =	vst v25;
	v63 =	vld.idx.msk [tilespmem:v23+s13+$0x0], $0xffff  }
0x22d: {  	[tilespmem:s26+$0xFFFFFEF0] =	vst v26;
	v22 =	vld.idx.msk [tilespmem:v22+s13+$0x0], $0xffff  }
0x22e: {  	[tilespmem:s25+$0xFFFFFE00] =	vst v17;
	v17 =	vld.idx.msk [tilespmem:v21+s13+$0x0], $0xffff  }
0x22f: {  	[tilespmem:s25+$0xFFFFFF00] =	vst v18  }
0x230: {  	[tilespmem:s26+$0x0] =	vst v19  }
0x231: {  	s24 =	sadd.s32 @!p0 s24, s11;
	[tilespmem:s26+$0xFFFFFD00] =	vst v63  }
0x232: {  	s23 =	sadd.s32 $0x1, s23;
	s24 =	sshrl.u32 @!p0 s24, $0x3;
	[tilespmem:s26+$0xFFFFFE00] =	vst v22  }
0x233: {  	s24 =	sadd.s32 @!p0 s4, s24;
	s25 =	simm.s32 @!p0 $0x0;
	[tilespmem:s26+$0xFFFFFF00] =	vst v17;
	s26 =	simm.s32 @!p0 $0x800  }
0x234: {  	[tilespmem:s26], [sflag:$0x2] =	stream.linear.gather @!p0 [hbm4b:s24+s25], $0x800, $0x38;
	[tilespmem:$0x11160] =	vst v63  }
0x235: {  	p0 =	sne.s32 s23, $0x20  }
.Ltmp2:
0x236: {  	_ = 	snop;
	(pc) =	sbr.rel @p0 .LBB2_2-.Ltmp2, $4  }
0x237: {  	_ = 	snop  }
0x238: {  	s31 =	sshll.u32 s28, $0x1  }
0x239: {  	s24 =	sadd.s32 s1, s31  }
0x23a: {  	[hbm4b:s24+s3] =	stream.linear.scatter [tilespmem:s19], [sflag:$0x4], $0x8000, $0x38;
	[tilespmem:$0x11160] =	vst v63  }
0x23b: {  	s22 =	sadd.s32 $0x1, s22  }
0x23c: {  	_ =	swait.ge [sflag:s20], $0x8000;
	p0 =	sne.s32 s22, s12  }
.Ltmp3:
0x23d: {  	[sflag:s20] =	ssyncset.done $0x0;
	(pc) =	sbr.rel @p0 .LBB2_1-.Ltmp3, $4  }
0x23e: {  	[sflag:s20] =	ssyncadd.s32 $0xFFFF8000  }
0x23f: {  	_ =	swait.ge [sflag:s21], $0x8000  }
0x240: {  	[sflag:s21] =	ssyncset.done $0x0  }
0x241: {  	[sflag:s21] =	ssyncadd.s32 $0xFFFF8000  }
0x242: {  	_ =	sfence.sel $0x180000  }
0x243: {  	[bflag:$0x0] =	sbarrier.arrive $0xFFFF  }
0x244: {  	p0 =	sne.s32 s2, $0x0;
	_ =	strace $0x90000047  }
0x245: {  	s0 =	sadd.s32 @!p0 $0x100000, s0;
	[bflag:$0x2] =	sbarrier.arrive $0xFFFF  }
0x246: {  	[sflag:s0] =	ssyncadd.tile.s32 @!p0 $0x1;
	_ =	shalt  }
.Lfunc_end2:
_tile_overlayer_lowered:
.L_overlay_start_2:
0x247: {  	(tag) =	ssettag $0x2  }
0x248: {  	s0 =	rddreg [dreg:$0x0];
	s2 =	stileid.u32  }
0x249: {  	s1 =	rddreg [dreg:$0x1];
	p0 =	sne.s32 s2, $0x0  }
0x24a: {  	s3 =	rddreg [dreg:$0x2];
	[bflag:$0x3] =	sbarrier.arrive $0xFFFF;
	s2 =	simm.s32 @!p0 $0x1C05  }
0x24b: {  	[timem:s3], [sflag:s2] =	dma.local @!p0 [hbm:s0], s1  }
0x24c: {  	s0 =	simm.s32 @!p0 $0x5  }
0x24d: {  	_ =	swait.ge @!p0 [sflag:s0], s1  }
0x24e: {  	s1 =	ssub.s32 @!p0 $0x0, s1;
	[sflag:s0] =	ssyncset.done @!p0 $0x0  }
0x24f: {  	[sflag:s0] =	ssyncadd.s32 @!p0 s1  }
0x250: {  	[bflag:$0x3] =	sbarrier.arrive $0xFFFF  }
0x251: {  	_ =	shalt  }

// kernel: sparse-core-data-format-call.cloned.1.call-start
scs
called_computation_lowered:
.L_overlay_start_0:
0x0: {  	s2 =	sld [smem:$0x3FD9]  }
0x1: {  	s3 =	sld [smem:$0x3FFE];
	_ =	sdelay $0x1  }
0x2: {  	s1 =	srdreg.scid  }
0x3: {  	s0 =	sand.u32 $0x1, s1  }
0x4: {  	s18 =	sshll.u32 s0, $0xA;
	s2 =	sadd.s32 s3, s2  }
0x5: {  	s2 =	sadd.s32 s2, s18  }
0x6: {  	[smem:$0x3FC6] =	sst s2  }
0x7: {  	_ = 	snop  }
0x8: {  	s2 =	sld [smem:$0x3FD0];
	(tm) =	ssettm $0x1  }
0x9: {  	s19 =	sld [smem:$0x3FFB];
	_ =	sdelay $0x3  }
0xa: {  	_ =	strace s19  }
0xb: {  	s3 =	sld [smem:$0x3FFC];
	_ =	sdelay $0x3  }
0xc: {  	_ =	strace s3  }
0xd: {  	s3 =	sld [smem:$0x3FFD];
	_ =	sdelay $0x3  }
0xe: {  	_ =	strace s3  }
0xf: {  	_ =	strace $0x8FFFFFFF  }
0x10: {  	s20 =	sld [smem:$0x3FDB];
	_ =	sdelay $0x1  }
0x11: {  	s4 =	simm.s32 $_scs_section_size  }
0x12: {  	s5 =	simm.s32 $_size__tile_overlayer_lowered;
	s6 =	simm.s32 $_tile_overlayer_lowered  }
0x13: {  	s23 =	simm.s32 $0x1BFF;
	s22 =	sshll.u32 s6, $0x1;
	s3 =	sadd.s32 s4, s20  }
0x14: {  	s7 =	simm.s32 $0x0;
	s21 =	sshll.u32 s5, $0x1;
	s5 =	sadd.s32 s22, s3  }
0x15: {  	[timem:s7], [sflag:s23] =	dma.local [hbm:s5], s21  }
0x16: {  	_ =	swait.ge [sflag:s23], s21  }
0x17: {  	s4 =	ssub.s32 $0x0, s21;
	[sflag:s23] =	ssyncset.done $0x0  }
0x18: {  	[sflag:s23] =	ssyncadd.s32 s4;
	_ =	sdelay $0x1  }
0x19: {  	s24 =	simm.s32 $0x1B8B  }
0x1a: {  	_ =	swait.ge [sflag:s24], $0x1  }
0x1b: {  	[sflag:s24] =	ssyncset.done $0x0  }
0x1c: {  	s26 =	simm.s32 $0x1B8E;
	s25 =	sld [smem:$0x3FFE];
	[sflag:s24] =	ssyncadd.s32 $0xFFFFFFFF  }
0x1d: {  	s27 =	simm.s32 $execute0_lowered;
	[smem:$0x3FD2] =	sst s26  }
0x1e: {  	s5 =	sshll.u32 s27, $0x1;
	_ =	strace $0x80000049;
	[dreg:$0x1] =	wrdreg $0xFFFFFFFF  }
0x1f: {  	s28 =	simm.s32 $_size_execute0_lowered;
	s3 =	sadd.s32 s3, s5;
	[dreg:$0x0] =	wrdreg $0x0  }
0x20: {  	s5 =	sshll.u32 s28, $0x1;
	[dreg:$0x2] =	wrdreg s3  }
0x21: {  	[dreg:$0x3] =	wrdreg s5  }
0x22: {  	[dreg:$0x4] =	wrdreg $0xC0  }
0x23: {  	_ =	task [dreg:s7], $0x5FFFF  }
0x24: {  	[dreg:$0x1] =	wrdreg $0xFFFFFFFF  }
0x25: {  	[dreg:$0x0] =	wrdreg $0x60  }
0x26: {  	[dreg:$0x2] =	wrdreg s25  }
0x27: {  	[dreg:$0x3] =	wrdreg s2  }
0x28: {  	[dreg:$0x4] =	wrdreg $0x9  }
0x29: {  	_ =	task.clear_ibuf [dreg:s7], $0x5FFFF;
	_ =	strace $0x90000049  }
0x2a: {  	s29 =	simm.s32 $0x9;
	_ =	strace $0x8000004B  }
0x2b: {  	_ =	swait.ge [sflag:s29], $0x1  }
0x2c: {  	[sflag:s29] =	ssyncadd.s32 $0xFFFFFFFF  }
0x2d: {  	_ =	strace $0x9000004B  }
0x2e: {  	_ =	sfence  }
0x2f: {  	s30 =	sld [smem:$0x0];
	_ =	sdelay $0x2  }
0x30: {  	s31 =	sshll.u32 s1, $0xD;
	s1 =	sshrl.u32 s1, $0x2  }
0x31: {  	s3 =	sand.u32 $0x4000, s31;
	s1 =	sadd.s32 s1, s30  }
0x32: {  	s0 =	sor.u32 s3, s0;
	s1 =	sshll.u32 s1, $0x11  }
0x33: {  	s0 =	sor.u32 s1, s0  }
0x34: {  	s0 =	sadd.s32 $0x8F2B, s0  }
0x35: {  	[sflag:s0] =	ssyncadd.remote.s32 $0x1  }
0x36: {  	_ =	sfence.sel $0xFFFF  }
0x37: {  	[dreg:$0x0] =	wrdreg $0xFFFFFFFF;
	(pc) =	sbr.abs _section_cstart, $3  }
0x38: {  	[dreg:$0x1] =	wrdreg $0xFFFFFFFF  }
0x39: {  	_ =	task.clear_ibuf [dreg:s7], $0x2FFFF;
	_ =	strace $0x9FFFFFFF  }
0x3a: {  	(tm) =	ssettm $0x7FFFFFFF  }
0x3b: {  	_ =	shalt  }
tec
execute0_lowered:
.L_overlay_start_1:
0x0: {  	(tag) =	ssettag $0x1  }
0x1: {  	s0 =	stileid.u32  }
0x2: {  	s1 =	srdreg.scid;
	s14 =	rddreg [dreg:$0x0]  }
0x3: {  	s7 =	simm.s32 $0x1;
	s8 =	simm.s32 $0x2;
	s21 =	simm.s32 $0x0  }
0x4: {  	s16 =	simm.s32 $0x2000;
	s22 =	simm.s32 $0x0;
	s23 =	simm.s32 $0x0  }
0x5: {  	s17 =	simm.s32 $0x0;
	s20 =	simm.s32 $0x0;
	s2 =	sshll.u32 s0, $0x1  }
0x6: {  	s1 =	sshll.u32 s1, $0x5;
	s4 =	sadd.s32 $0x800, s14;
	s9 =	sadd.s32 $0x8800, s14  }
0x7: {  	s10 =	sadd.s32 $0xC800, s14;
	s11 =	sadd.s32 $0x10800, s14;
	s1 =	sor.u32 s2, s1  }
0x8: {  	s12 =	sadd.s32 $0x14800, s14;
	s2 =	rddreg [dreg:$0x1];
	s3 =	sand.u32 $0x38, s1  }
0x9: {  	s13 =	sadd.s32 $0x18800, s14;
	s1 =	rddreg [dreg:$0x2];
	s6 =	ssub.s32 $0x400, s3  }
0xa: {  	_ =	strace $0x8000004A;
	s18 =	smov.u32 s3;
	s5 =	sand.u32 $0x38, s6  }
.Ltmp0:
0xb: {  	p0 =	sne.s32 s5, $0x0;
	s5 =	simm.s32 $0x1;
	(pc) =	sbr.rel .LBB1_1-.Ltmp0, $4  }
0xc: {  	s6 =	sshrl.u32 s6, $0x6;
	s7 =	simm.s32 @!p0 $0x0;
	[sflag:s5] =	ssyncpa.u1 $0x0  }
0xd: {  	p0 =	por $0x0, $0x0;
	s7 =	sadd.s32 s7, s6;
	s6 =	sand.u32 $0x3, s0  }
0xe: {  	[sflag:s8] =	ssyncpa.u1 $0x0;
	s8 =	sadd.s32 $0x4800, s14;
	s7 =	sshll.u32 s7, $0x3  }
0xf: {  	s14 =	sadd.s32 $0x1C800, s14;
	s19 =	smov.u32 s6;
	s15 =	sor.u32 $0x1, s7  }
.LBB1_7:
0x10: {  	s24 =	sadd.s32 $0x80, s17  }
0x11: {  	s21 =	sadd.s32 $0x40, s18;
	s25 =	smov.u32 s18;
	p2 =	sgt.s32 s24, $0x3FF  }
0x12: {  	s25 =	smov.u32 @p2 s21  }
0x13: {  	s27 =	smov.u32 s19;
	s21 =	sadd.s32 $0x4, s19;
	p3 =	sgt.s32 s25, $0x3FF  }
0x14: {  	s27 =	smov.u32 @p3 s21  }
0x15: {  	s24 =	simm.s32 @p2 $0x0;
	p2 =	sgt.s32 s27, $0x3  }
0x16: {  	p1 =	slt.u32 s20, $0x2;
	s27 =	smov.u32 @p2 s6;
	p2 =	sne.s32 s20, s15  }
.Ltmp1:
0x17: {  	s26 =	simm.s32 @!p1 $0x2;
	(pc) =	sbr.rel @!p2 .LBB1_8-.Ltmp1, $4  }
0x18: {  	s22 =	smov.u32 s18;
	s23 =	smov.u32 s19;
	_ =	swait.ge @!p1 [sflag:s26], $0x4000  }
0x19: {  	p0 =	por !p0, !p0;
	[sflag:s26] =	ssyncset.done @!p1 $0x0;
	s25 =	smov.u32 @p3 s3  }
0x1a: {  	s21 =	smov.u32 s17;
	[sflag:s26] =	ssyncadd.s32 @!p1 $0xFFFFC000;
	s17 =	smov.u32 s24  }
0x1b: {  	s18 =	smov.u32 s25;
	s20 =	sadd.s32 $0x1, s20;
	s19 =	smov.u32 s27  }
.LBB1_1:
0x1c: {  	p1 =	sge.u32 s20, s7  }
0x1d: {  	s24 =	sxor.u32 @!p1 $0xFFFFFFFF, s20;
	s25 =	sshll.u32 @!p1 s19, $0x18;
	s26 =	sshll.u32 @!p1 s18, $0xE  }
0x1e: {  	s28 =	sshll.u32 @!p1 s17, $0x4;
	s29 =	simm.s32 @!p1 $0x10;
	s27 =	sadd.s32 @!p1 s25, s26  }
0x1f: {  	s24 =	sshll.u32 @!p1 s24, $0xE;
	s28 =	sand.u32 @!p1 $0x3FF0, s28;
	s27 =	sadd.s32 @!p1 s4, s27  }
0x20: {  	s30 =	simm.s32 @!p1 $0x80;
	s24 =	sand.u32 @!p1 $0x4000, s24;
	s27 =	sadd.s32 @!p1 s28, s27  }
0x21: {  	[tilespmem:s24], [sflag:$0x1] =	stream.strided.gather @!p1 [hbm4b:s27+s29], $0x800, s30, s29, $0x38;
	[tilespmem:$0x10100] =	vst v63  }
0x22: {  	s27 =	sadd.s32 @!p1 s25, s8  }
0x23: {  	s27 =	sadd.s32 @!p1 s26, s27  }
0x24: {  	s31 =	sor.u32 @!p1 $0x800, s24;
	s27 =	sadd.s32 @!p1 s28, s27  }
0x25: {  	[tilespmem:s31], [sflag:$0x1] =	stream.strided.gather @!p1 [hbm4b:s27+s29], $0x800, s30, s29, $0x38;
	[tilespmem:$0x10100] =	vst v63  }
0x26: {  	s27 =	sadd.s32 @!p1 s25, s9  }
0x27: {  	s27 =	sadd.s32 @!p1 s26, s27  }
0x28: {  	s31 =	sor.u32 @!p1 $0x1000, s24;
	s27 =	sadd.s32 @!p1 s28, s27  }
0x29: {  	[tilespmem:s31], [sflag:$0x1] =	stream.strided.gather @!p1 [hbm4b:s27+s29], $0x800, s30, s29, $0x38;
	[tilespmem:$0x10100] =	vst v63  }
0x2a: {  	s27 =	sadd.s32 @!p1 s25, s10  }
0x2b: {  	s27 =	sadd.s32 @!p1 s26, s27  }
0x2c: {  	s31 =	sor.u32 @!p1 $0x1800, s24;
	s27 =	sadd.s32 @!p1 s28, s27  }
0x2d: {  	[tilespmem:s31], [sflag:$0x1] =	stream.strided.gather @!p1 [hbm4b:s27+s29], $0x800, s30, s29, $0x38;
	[tilespmem:$0x10100] =	vst v63  }
0x2e: {  	s27 =	sadd.s32 @!p1 s25, s11  }
0x2f: {  	s27 =	sadd.s32 @!p1 s26, s27  }
0x30: {  	s31 =	sor.u32 @!p1 $0x2000, s24;
	s27 =	sadd.s32 @!p1 s28, s27  }
0x31: {  	[tilespmem:s31], [sflag:$0x1] =	stream.strided.gather @!p1 [hbm4b:s27+s29], $0x800, s30, s29, $0x38;
	[tilespmem:$0x10100] =	vst v63  }
0x32: {  	s27 =	sadd.s32 @!p1 s25, s12  }
0x33: {  	s27 =	sadd.s32 @!p1 s26, s27  }
0x34: {  	s31 =	sor.u32 @!p1 $0x2800, s24;
	s27 =	sadd.s32 @!p1 s28, s27  }
0x35: {  	[tilespmem:s31], [sflag:$0x1] =	stream.strided.gather @!p1 [hbm4b:s27+s29], $0x800, s30, s29, $0x38;
	[tilespmem:$0x10100] =	vst v63  }
0x36: {  	s27 =	sadd.s32 @!p1 s25, s13  }
0x37: {  	s25 =	sadd.s32 @!p1 s25, s14;
	s27 =	sadd.s32 @!p1 s26, s27  }
0x38: {  	s31 =	sor.u32 @!p1 $0x3000, s24;
	s25 =	sadd.s32 @!p1 s26, s25;
	s27 =	sadd.s32 @!p1 s28, s27  }
0x39: {  	[tilespmem:s31], [sflag:$0x1] =	stream.strided.gather @!p1 [hbm4b:s27+s29], $0x800, s30, s29, $0x38;
	[tilespmem:$0x10100] =	vst v63  }
0x3a: {  	s24 =	sor.u32 @!p1 $0x3800, s24;
	s25 =	sadd.s32 @!p1 s28, s25;
	s31 =	sadd.s32 $0xFFFFFFFF, s20  }
0x3b: {  	[tilespmem:s24], [sflag:$0x1] =	stream.strided.gather @!p1 [hbm4b:s25+s29], $0x800, s30, s29, $0x38;
	[tilespmem:$0x10100] =	vst v63  }
0x3c: {  	p1 =	sge.u32 s31, s7  }
.Ltmp2:
0x3d: {  	_ = 	snop;
	(pc) =	sbr.rel @p1 .LBB1_7-.Ltmp2, $1  }
0x3e: {  	_ =	sdelay $0x3  }
0x3f: {  	s24 =	simm.s32 $0x1;
	s26 =	sand.u32 $0x1, s20  }
0x40: {  	_ =	swait.ge [sflag:s5], $0x4000;
	s24 =	simm.s32 @!p0 $0x0;
	s27 =	smul.u32 $0x10200, s26  }
0x41: {  	[sflag:s5] =	ssyncset.done $0x0;
	s25 =	smul.u32 $0x10200, s24  }
0x42: {  	s24 =	sshll.u32 s24, $0xE;
	[sflag:s5] =	ssyncadd.s32 $0xFFFFC000  }
0x43: {  	s26 =	sor.u32 $0x40, s24;
	s31 =	sshrl.u32 s27, $0x2;
	s25 =	sshrl.u32 s25, $0x2  }
0x44: {  	s27 =	simm.s32 $0x0;
	s24 =	sor.u32 $0x8000, s31;
	s25 =	sor.u32 $0x8007, s25  }
.LBB1_3:
0x45: {  	v3 =	vld [tilespmem:s26+$0x30]  }
0x46: {  	v4 =	vld [tilespmem:s26+$0xFFFFFFD0]  }
0x47: {  	v5 =	vld [tilespmem:s26+$0xFFFFFFE0]  }
0x48: {  	v1 =	vld [tilespmem:s26+$0xFFFFFFF0]  }
0x49: {  	v0 =	vld [tilespmem:s26+$0x0]  }
0x4a: {  	v2 =	vld [tilespmem:s26+$0x10];
	[tilespmem:s25+$0x0 ss:$0x81] =	vst.msk $0xffff, v3  }
0x4b: {  	[tilespmem:s25+$0xFFFFFFFA ss:$0x81] =	vst.msk $0xffff, v4;
	v4 =	vld [tilespmem:s26+$0x20]  }
0x4c: {  	s29 =	simm.s32 $0x0;
	s30 =	sadd.s32 $0x80, s26;
	s28 =	smov.u32 s25;
	v3 =	vld [tilespmem:s26+$0xFFFFFFC0];
	[tilespmem:s25+$0xFFFFFFFB ss:$0x81] =	vst.msk $0xffff, v5  }
.LBB1_4:
0x4d: {  	v5 =	vld [tilespmem:s30+$0x30];
	s29 =	sadd.s32 $0x8, s29;
	[tilespmem:s28+$0xFFFFFFFC ss:$0x81] =	vst.msk $0xffff, v1  }
0x4e: {  	v6 =	vld [tilespmem:s30+$0xFFFFFFD0];
	p1 =	slt.u32 s29, $0x78;
	[tilespmem:s28+$0xFFFFFFFD ss:$0x81] =	vst.msk $0xffff, v0  }
0x4f: {  	v7 =	vld [tilespmem:s30+$0xFFFFFFE0];
	[tilespmem:s28+$0xFFFFFFFE ss:$0x81] =	vst.msk $0xffff, v2  }
.Ltmp3:
0x50: {  	v1 =	vld [tilespmem:s30+$0xFFFFFFF0];
	[tilespmem:s28+$0xFFFFFFFF ss:$0x81] =	vst.msk $0xffff, v4;
	(pc) =	sbr.rel @p1 .LBB1_4-.Ltmp3, $4  }
0x51: {  	v0 =	vld [tilespmem:s30+$0x0];
	[tilespmem:s28+$0xFFFFFFF9 ss:$0x81] =	vst.msk $0xffff, v3;
	s28 =	sadd.s32 $0x8, s28  }
0x52: {  	v2 =	vld [tilespmem:s30+$0x10];
	[tilespmem:s28+$0x0 ss:$0x81] =	vst.msk $0xffff, v5  }
0x53: {  	[tilespmem:s28+$0xFFFFFFFA ss:$0x81] =	vst.msk $0xffff, v6;
	v4 =	vld [tilespmem:s30+$0x20]  }
0x54: {  	v3 =	vld [tilespmem:s30+$0xFFFFFFC0];
	[tilespmem:s28+$0xFFFFFFFB ss:$0x81] =	vst.msk $0xffff, v7;
	s30 =	sadd.s32 $0x80, s30  }
0x55: {  	s27 =	sadd.s32 $0x1, s27  }
0x56: {  	p1 =	sne.s32 s27, $0x8  }
.Ltmp4:
0x57: {  	[tilespmem:s28+$0xFFFFFFFC ss:$0x81] =	vst.msk $0xffff, v1;
	(pc) =	sbr.rel @p1 .LBB1_3-.Ltmp4, $4  }
0x58: {  	[tilespmem:s28+$0xFFFFFFFD ss:$0x81] =	vst.msk $0xffff, v0  }
0x59: {  	[tilespmem:s28+$0xFFFFFFFE ss:$0x81] =	vst.msk $0xffff, v2  }
0x5a: {  	[tilespmem:s28+$0xFFFFFFFF ss:$0x81] =	vst.msk $0xffff, v4  }
0x5b: {  	s25 =	sadd.s32 $0x810, s25;
	s26 =	sadd.s32 $0x800, s26;
	[tilespmem:s28+$0xFFFFFFF9 ss:$0x81] =	vst.msk $0xffff, v3  }
0x5c: {  	s23 =	sshll.u32 s23, $0x15;
	s25 =	sand.u32 $0x780, s21  }
.Ltmp5:
0x5d: {  	s22 =	sshll.u32 s22, $0xB;
	s23 =	sadd.s32 s2, s23;
	(pc) =	sbr.rel .LBB1_7-.Ltmp5, $4  }
0x5e: {  	s26 =	sshrl.u32 s21, $0x3;
	s30 =	sand.u32 $0x7, s21;
	s22 =	sadd.s32 s22, s23  }
0x5f: {  	s31 =	sand.u32 $0xF, s26;
	s21 =	sshll.u32 s30, $0x12;
	s22 =	sadd.s32 s25, s22  }
0x60: {  	s21 =	sor.u32 $0x400, s21;
	s22 =	sadd.s32 s31, s22  }
0x61: {  	[hbm4b:s22+s21] =	stream.strided.scatter [tilespmem:s24], [sflag:$0x2], $0x4000, s16, s21, $0x20;
	[tilespmem:$0x10100] =	vst v63  }
.LBB1_8:
0x62: {  	_ =	sfence.sel $0x180000  }
0x63: {  	s2 =	simm.s32 $0x1;
	[bflag:$0x0] =	sbarrier.arrive $0xFFFF  }
0x64: {  	s31 =	simm.s32 $0x2;
	[sflag:s2] =	ssyncpa.u1 $0x1  }
0x65: {  	[sflag:s31] =	ssyncpa.u1 $0x1  }
0x66: {  	p0 =	sne.s32 s0, $0x0;
	_ =	strace $0x9000004A  }
0x67: {  	s0 =	sadd.s32 @!p0 $0x100000, s1;
	[bflag:$0x2] =	sbarrier.arrive $0xFFFF  }
0x68: {  	[sflag:s0] =	ssyncadd.tile.s32 @!p0 $0x1;
	_ =	shalt  }
.Lfunc_end1:
_tile_overlayer_lowered:
.L_overlay_start_2:
0x69: {  	(tag) =	ssettag $0x2  }
0x6a: {  	s0 =	rddreg [dreg:$0x0];
	s2 =	stileid.u32  }
0x6b: {  	s1 =	rddreg [dreg:$0x1];
	p0 =	sne.s32 s2, $0x0  }
0x6c: {  	s3 =	rddreg [dreg:$0x2];
	[bflag:$0x3] =	sbarrier.arrive $0xFFFF;
	s2 =	simm.s32 @!p0 $0x1C01  }
0x6d: {  	[timem:s3], [sflag:s2] =	dma.local @!p0 [hbm:s0], s1  }
0x6e: {  	s0 =	simm.s32 @!p0 $0x1  }
0x6f: {  	_ =	swait.ge @!p0 [sflag:s0], s1  }
0x70: {  	s1 =	ssub.s32 @!p0 $0x0, s1;
	[sflag:s0] =	ssyncset.done @!p0 $0x0  }
0x71: {  	[sflag:s0] =	ssyncadd.s32 @!p0 s1  }
0x72: {  	[bflag:$0x3] =	sbarrier.arrive $0xFFFF  }
0x73: {  	_ =	shalt  }

</sc_bundles>
